<compile_context>
chip_gen: v7x
topology: tpu7x:2x2x1
jax: 0.10.2.dev20260603
libtpu: 0.0.44.dev20260713+nightly
codegen_flags: <defaults>
</compile_context>

<pallas_src>
import functools

import jax
import jax.numpy as jnp
from jax import lax
from jax.experimental import pallas as pl
from jax.experimental.pallas import tpu as pltpu
from jax.experimental.pallas import tpu_sc as plsc

_CHUNK = 128
_TW = 2048
_TH = 25 * _TW


def _tc_pack4(tables):
  G = _TH // _TW
  last_blk = (tables[0].shape[1] - 1) // _TW

  def body(*refs):
    ins, out_r = refs[:8], refs[8]
    for t in range(4):
      lo, hi = ins[2 * t][...], ins[2 * t + 1][...]
      out_r[t, :, :] = jnp.concatenate([lo.T, hi.T], axis=1)

  lo_spec = pl.BlockSpec((64, _TW), lambda i: (0, i))
  hi_spec = pl.BlockSpec((64, _TW), lambda i: (0, jnp.minimum(i + G, last_blk)))
  return pl.pallas_call(
      body,
      grid=(G,),
      in_specs=[s for _ in range(4) for s in (lo_spec, hi_spec)],
      out_specs=pl.BlockSpec((4, _TW, 128), lambda i: (0, i, 0)),
      out_shape=jax.ShapeDtypeStruct((4, _TH, 128), jnp.float32),
  )(*[t for tbl in tables for t in (tbl, tbl)])


def _sc_gather(cidx, table):
  B4 = cidx.shape[0]
  D = table.shape[1]
  info = plsc.get_sparse_core_info()
  NC, NS = info.num_cores, info.num_subcores
  NW = NC * NS
  assert B4 % (NW * _CHUNK) == 0
  bpw = B4 // NW
  ch = bpw // _CHUNK
  GRP = 4
  rows_g = GRP * _CHUNK
  ngrp = ch // GRP

  cidx2 = cidx.reshape(NW * ch, _CHUNK)

  mesh = plsc.VectorSubcoreMesh(core_axis_name="c", subcore_axis_name="s")

  @functools.partial(
      pl.kernel,
      out_type=jax.ShapeDtypeStruct((B4, D), jnp.float32),
      mesh=mesh,
      compiler_params=pltpu.CompilerParams(use_tc_tiling_on_sc=False),
      scratch_types=[
          pltpu.VMEM((ch, _CHUNK), jnp.int32),
          pltpu.VMEM((rows_g, D), jnp.float32),
          pltpu.VMEM((rows_g, D), jnp.float32),
          pltpu.SemaphoreType.DMA,
          pltpu.SemaphoreType.DMA,
      ],
  )
  def k(cix, tbl, out, idx_v, rows0, rows1, sem0, sem1):
    wid = lax.axis_index("s") * NC + lax.axis_index("c")
    base = wid * bpw
    pltpu.sync_copy(cix.at[pl.ds(wid * ch, ch)], idx_v)

    bufs = (rows0, rows1)
    sems = (sem0, sem1)

    def fire(g):
      buf, sem = bufs[g % 2], sems[g % 2]
      return [
          pltpu.async_copy(tbl.at[idx_v.at[g * GRP + j]],
                           buf.at[pl.ds(j * _CHUNK, _CHUNK)], sem)
          for j in range(GRP)
      ]

    descs = [None] * ngrp
    descs[0] = fire(0)
    if ngrp > 1:
      descs[1] = fire(1)
    for g in range(ngrp):
      for d in descs[g]:
        d.wait()
      pltpu.sync_copy(bufs[g % 2], out.at[pl.ds(base + g * rows_g, rows_g)])
      if g + 2 < ngrp:
        descs[g + 2] = fire(g + 2)

  return k(cidx2, table)


def _tc_mlp(R, W1, b1, W2, b2, W3, b3, Wo, bo):
  B = R.shape[0]
  D = 64
  H3 = W3.shape[1]
  bb = 2048
  grid = B // bb

  def body(r_r, W1_r, b1_r, W2_r, b2_r, W3_r, b3_r, Wo_r, bo_r, o_r):
    dot = functools.partial(jnp.dot, preferred_element_type=jnp.float32)
    R2 = r_r[...]
    h = jnp.maximum(dot(R2[:, 128:256], W1_r[...]) + b1_r[...], 0.0)
    h = jnp.maximum(dot(h, W2_r[...]) + b2_r[...], 0.0)
    h = jnp.maximum(dot(h, W3_r[...]) + b3_r[...], 0.0)
    g = R2[:, 0:D] * R2[:, D:2 * D]
    logit = dot(g, Wo_r[0:D, :]) + dot(h, Wo_r[D:D + H3, :]) + bo_r[...]
    o_r[...] = jax.nn.sigmoid(logit[:, 0])

  row = pl.BlockSpec((bb, 256), lambda i: (i, 0))
  full = lambda a: pl.BlockSpec(a.shape, lambda i: (0,) * a.ndim)
  return pl.pallas_call(
      body,
      grid=(grid,),
      in_specs=[row,
                full(W1), full(b1), full(W2), full(b2),
                full(W3), full(b3), full(Wo), full(bo)],
      out_specs=pl.BlockSpec((bb,), lambda i: (i,)),
      out_shape=jax.ShapeDtypeStruct((B,), jnp.float32),
  )(R, W1, b1, W2, b2, W3, b3, Wo, bo)


def kernel(user_indices, item_indices, user_emb_gmf, item_emb_gmf,
           user_emb_mlp, item_emb_mlp, W1, b1, W2, b2, W3, b3, Wo, bo):
  B = user_indices.shape[0]
  remap = lambda i: jnp.where(i < _TH, 2 * i, 2 * (i - _TH) + 1)
  cu, ci = remap(user_indices), remap(item_indices)
  H2 = 2 * _TH
  cidx = jnp.stack((cu, ci + H2, cu + 2 * H2, ci + 3 * H2),
                   axis=-1).reshape(4 * B)

  packed = _tc_pack4(
      (user_emb_gmf.T, item_emb_gmf.T, user_emb_mlp.T, item_emb_mlp.T))
  R = _sc_gather(cidx, packed.reshape(8 * _TH, 64))
  return _tc_mlp(R.reshape(B, 256), W1, b1, W2, b2, W3, b3, Wo, bo)

# --- scband reference (transcript-rebuilt; emitter-appended) ---
"""Pipeline reference for scband-neural-cf-89996744720389 (READ-ONLY COPY).

The authoritative reference and input builder live on the scoring server;
editing this copy changes nothing except your own understanding.
"""

import jax, jax.numpy as jnp
import numpy as np

B = 16384
NU = 100000
NI = 100000
D = 64


def setup_inputs(seed: int = 0) -> dict:
    key = jax.random.key(seed)
    ks = jax.random.split(key, 16)
    user_indices = jax.random.randint(ks[0], (B,), 0, NU, dtype=jnp.int64) if jax.config.jax_enable_x64 else jax.random.randint(ks[0], (B,), 0, NU, dtype=jnp.int32)
    item_indices = jax.random.randint(ks[1], (B,), 0, NI, dtype=jnp.int32)
    user_indices = user_indices.astype(jnp.int32)
    user_emb_gmf = jax.random.normal(ks[2], (NU, D), dtype=jnp.float32) * 0.05
    item_emb_gmf = jax.random.normal(ks[3], (NI, D), dtype=jnp.float32) * 0.05
    user_emb_mlp = jax.random.normal(ks[4], (NU, D), dtype=jnp.float32) * 0.05
    item_emb_mlp = jax.random.normal(ks[5], (NI, D), dtype=jnp.float32) * 0.05
    W1 = jax.random.normal(ks[6], (2 * D, 128), dtype=jnp.float32) * 0.05
    b1 = jnp.zeros((128,), dtype=jnp.float32)
    W2 = jax.random.normal(ks[7], (128, 64), dtype=jnp.float32) * 0.05
    b2 = jnp.zeros((64,), dtype=jnp.float32)
    W3 = jax.random.normal(ks[8], (64, 32), dtype=jnp.float32) * 0.05
    b3 = jnp.zeros((32,), dtype=jnp.float32)
    Wo = jax.random.normal(ks[9], (32 + D, 1), dtype=jnp.float32) * 0.05
    bo = jnp.zeros((1,), dtype=jnp.float32)
    return {
        "user_indices": user_indices,
        "item_indices": item_indices,
        "user_emb_gmf": user_emb_gmf,
        "item_emb_gmf": item_emb_gmf,
        "user_emb_mlp": user_emb_mlp,
        "item_emb_mlp": item_emb_mlp,
        "W1": W1, "b1": b1,
        "W2": W2, "b2": b2,
        "W3": W3, "b3": b3,
        "Wo": Wo, "bo": bo,
    }


def reference(user_indices, item_indices, user_emb_gmf, item_emb_gmf,
              user_emb_mlp, item_emb_mlp, W1, b1, W2, b2, W3, b3, Wo, bo):
    # GMF branch: elementwise product of gathered embeddings
    gmf_user = jnp.take(user_emb_gmf, user_indices, axis=0)
    gmf_item = jnp.take(item_emb_gmf, item_indices, axis=0)
    gmf_output = gmf_user * gmf_item
    # MLP branch: concat gathered embeddings, pass through ReLU MLP
    mlp_user = jnp.take(user_emb_mlp, user_indices, axis=0)
    mlp_item = jnp.take(item_emb_mlp, item_indices, axis=0)
    mlp_input = jnp.concatenate((mlp_user, mlp_item), axis=-1)
    h = jax.nn.relu(mlp_input @ W1 + b1)
    h = jax.nn.relu(h @ W2 + b2)
    h = jax.nn.relu(h @ W3 + b3)
    # Concatenate GMF and MLP outputs, final prediction layer
    final_input = jnp.concatenate((gmf_output, h), axis=-1)
    logits = final_input @ Wo + bo
    return jnp.squeeze(jax.nn.sigmoid(logits))

if __name__ == "__main__":
    import jax
    _d = setup_inputs()
    print(jax.jit(kernel)(*tuple(_d.values())))

</pallas_src>

<mosaic_0001>
#map = affine_map<(d0, d1) -> (0, 0)>
module attributes {stable_mosaic.version = 14 : i64} {
  func.func @k(%arg0: i32, %arg1: i32, %arg2: memref<512x128xi32, #tpu.memory_space<hbm>>, %arg3: memref<409600x64xf32, #tpu.memory_space<hbm>>, %arg4: memref<65536x64xf32, #tpu.memory_space<hbm>>, %arg5: memref<16x128xi32, #tpu.memory_space<vmem>>, %arg6: memref<512x64xf32, #tpu.memory_space<vmem>>, %arg7: memref<512x64xf32, #tpu.memory_space<vmem>>, %arg8: memref<!tpu.dma_semaphore, #tpu.memory_space<semaphore_mem>>, %arg9: memref<!tpu.dma_semaphore, #tpu.memory_space<semaphore_mem>>) attributes {dimension_semantics = [#tpu.dimension_semantics<core_parallel>, #tpu.dimension_semantics<subcore_parallel>], iteration_bounds = array<i64: 2, 16>, scalar_prefetch = 0 : i64, scratch_operands = 5 : i64, tpu.core_type = #tpu.core_type<sc_vector_subcore>, window_params = [{transform_indices = #map}, {transform_indices = #map}, {transform_indices = #map}]} {
    %mul3A = arith.constant 2 : i32
    %mul3A_0 = arith.muli %arg1, %mul3A : i32
    %add3A = arith.addi %mul3A_0, %arg0 : i32
    %mul3A_1 = arith.constant 2048 : i32
    %mul3A_2 = arith.muli %add3A, %mul3A_1 : i32
    %mul3A_3 = arith.constant 16 : i32
    %mul3A_4 = arith.muli %add3A, %mul3A_3 : i32
    "tpu.region"() ({
      %run_scoped3A = tpu.sem_alloc : memref<!tpu.dma_semaphore, #tpu.memory_space<semaphore_mem>>
      %dma_start3A_331 = arith.constant 0 : i32
      %dma_start3A_332 = tpu.memref_slice %arg2[%mul3A_4, %dma_start3A_331] : memref<512x128xi32, #tpu.memory_space<hbm>> -> memref<16x128xi32, #tpu.memory_space<hbm>>
      %dma_start3A_333 = arith.constant 0 : i32
      %dma_start3A_334 = tpu.memref_slice %arg2[%mul3A_4, %dma_start3A_333] : memref<512x128xi32, #tpu.memory_space<hbm>> -> memref<16x128xi32, #tpu.memory_space<hbm>>
      tpu.enqueue_dma source(%dma_start3A_334 : memref<16x128xi32, #tpu.memory_space<hbm>>) target(%arg5 : memref<16x128xi32, #tpu.memory_space<vmem>>) target_semaphore(%run_scoped3A : memref<!tpu.dma_semaphore, #tpu.memory_space<semaphore_mem>>)
      %dma_wait3A_335 = arith.constant 0 : i32
      %dma_wait3A_336 = tpu.memref_slice %arg2[%mul3A_4, %dma_wait3A_335] : memref<512x128xi32, #tpu.memory_space<hbm>> -> memref<16x128xi32, #tpu.memory_space<hbm>>
      %dma_wait3A_337 = arith.constant 0 : i32
      %dma_wait3A_338 = tpu.memref_slice %arg2[%mul3A_4, %dma_wait3A_337] : memref<512x128xi32, #tpu.memory_space<hbm>> -> memref<16x128xi32, #tpu.memory_space<hbm>>
      tpu.wait_dma2 semaphore(%run_scoped3A : memref<!tpu.dma_semaphore, #tpu.memory_space<semaphore_mem>>) src(%dma_wait3A_338 : memref<16x128xi32, #tpu.memory_space<hbm>>) dst(%arg5 : memref<16x128xi32, #tpu.memory_space<vmem>>)
      tpu.yield
    }) : () -> ()
    %dma_start3A = arith.constant 0 : i32
    %dma_start3A_5 = arith.constant 0 : i32
    %dma_start3A_6 = arith.constant 0 : i32
    %dma_start3A_7 = tpu.memref_slice %arg6[%dma_start3A_5, %dma_start3A_6] : memref<512x64xf32, #tpu.memory_space<vmem>> -> memref<128x64xf32, #tpu.memory_space<vmem>>
    %dma_start3A_8 = arith.constant 0 : i32
    %dma_start3A_9 = tpu.memref_slice %arg5[%dma_start3A, %dma_start3A_8] : memref<16x128xi32, #tpu.memory_space<vmem>> -> memref<1x128xi32, #tpu.memory_space<vmem>>
    %dma_start3A_10 = tpu.memref_squeeze %dma_start3A_9 : memref<1x128xi32, #tpu.memory_space<vmem>> -> memref<128xi32, #tpu.memory_space<vmem>>
    %dma_start3A_11 = arith.constant 0 : i32
    %dma_start3A_12 = arith.constant 0 : i32
    %dma_start3A_13 = tpu.memref_slice %arg3[%dma_start3A_11, %dma_start3A_12] : memref<409600x64xf32, #tpu.memory_space<hbm>> -> memref<409600x64xf32, #tpu.memory_space<hbm>>
    tpu.enqueue_indirect_dma source(%dma_start3A_13 : memref<409600x64xf32, #tpu.memory_space<hbm>>) target(%dma_start3A_7 : memref<128x64xf32, #tpu.memory_space<vmem>>) offsets(%dma_start3A_10 : memref<128xi32, #tpu.memory_space<vmem>>) semaphore(%arg8 : memref<!tpu.dma_semaphore, #tpu.memory_space<semaphore_mem>>)
    %dma_start3A_14 = arith.constant 1 : i32
    %dma_start3A_15 = arith.constant 128 : i32
    %dma_start3A_16 = arith.constant 0 : i32
    %dma_start3A_17 = tpu.memref_slice %arg6[%dma_start3A_15, %dma_start3A_16] : memref<512x64xf32, #tpu.memory_space<vmem>> -> memref<128x64xf32, #tpu.memory_space<vmem>>
    %dma_start3A_18 = arith.constant 0 : i32
    %dma_start3A_19 = tpu.memref_slice %arg5[%dma_start3A_14, %dma_start3A_18] : memref<16x128xi32, #tpu.memory_space<vmem>> -> memref<1x128xi32, #tpu.memory_space<vmem>>
    %dma_start3A_20 = tpu.memref_squeeze %dma_start3A_19 : memref<1x128xi32, #tpu.memory_space<vmem>> -> memref<128xi32, #tpu.memory_space<vmem>>
    %dma_start3A_21 = arith.constant 0 : i32
    %dma_start3A_22 = arith.constant 0 : i32
    %dma_start3A_23 = tpu.memref_slice %arg3[%dma_start3A_21, %dma_start3A_22] : memref<409600x64xf32, #tpu.memory_space<hbm>> -> memref<409600x64xf32, #tpu.memory_space<hbm>>
    tpu.enqueue_indirect_dma source(%dma_start3A_23 : memref<409600x64xf32, #tpu.memory_space<hbm>>) target(%dma_start3A_17 : memref<128x64xf32, #tpu.memory_space<vmem>>) offsets(%dma_start3A_20 : memref<128xi32, #tpu.memory_space<vmem>>) semaphore(%arg8 : memref<!tpu.dma_semaphore, #tpu.memory_space<semaphore_mem>>)
    %dma_start3A_24 = arith.constant 2 : i32
    %dma_start3A_25 = arith.constant 256 : i32
    %dma_start3A_26 = arith.constant 0 : i32
    %dma_start3A_27 = tpu.memref_slice %arg6[%dma_start3A_25, %dma_start3A_26] : memref<512x64xf32, #tpu.memory_space<vmem>> -> memref<128x64xf32, #tpu.memory_space<vmem>>
    %dma_start3A_28 = arith.constant 0 : i32
    %dma_start3A_29 = tpu.memref_slice %arg5[%dma_start3A_24, %dma_start3A_28] : memref<16x128xi32, #tpu.memory_space<vmem>> -> memref<1x128xi32, #tpu.memory_space<vmem>>
    %dma_start3A_30 = tpu.memref_squeeze %dma_start3A_29 : memref<1x128xi32, #tpu.memory_space<vmem>> -> memref<128xi32, #tpu.memory_space<vmem>>
    %dma_start3A_31 = arith.constant 0 : i32
    %dma_start3A_32 = arith.constant 0 : i32
    %dma_start3A_33 = tpu.memref_slice %arg3[%dma_start3A_31, %dma_start3A_32] : memref<409600x64xf32, #tpu.memory_space<hbm>> -> memref<409600x64xf32, #tpu.memory_space<hbm>>
    tpu.enqueue_indirect_dma source(%dma_start3A_33 : memref<409600x64xf32, #tpu.memory_space<hbm>>) target(%dma_start3A_27 : memref<128x64xf32, #tpu.memory_space<vmem>>) offsets(%dma_start3A_30 : memref<128xi32, #tpu.memory_space<vmem>>) semaphore(%arg8 : memref<!tpu.dma_semaphore, #tpu.memory_space<semaphore_mem>>)
    %dma_start3A_34 = arith.constant 3 : i32
    %dma_start3A_35 = arith.constant 384 : i32
    %dma_start3A_36 = arith.constant 0 : i32
    %dma_start3A_37 = tpu.memref_slice %arg6[%dma_start3A_35, %dma_start3A_36] : memref<512x64xf32, #tpu.memory_space<vmem>> -> memref<128x64xf32, #tpu.memory_space<vmem>>
    %dma_start3A_38 = arith.constant 0 : i32
    %dma_start3A_39 = tpu.memref_slice %arg5[%dma_start3A_34, %dma_start3A_38] : memref<16x128xi32, #tpu.memory_space<vmem>> -> memref<1x128xi32, #tpu.memory_space<vmem>>
    %dma_start3A_40 = tpu.memref_squeeze %dma_start3A_39 : memref<1x128xi32, #tpu.memory_space<vmem>> -> memref<128xi32, #tpu.memory_space<vmem>>
    %dma_start3A_41 = arith.constant 0 : i32
    %dma_start3A_42 = arith.constant 0 : i32
    %dma_start3A_43 = tpu.memref_slice %arg3[%dma_start3A_41, %dma_start3A_42] : memref<409600x64xf32, #tpu.memory_space<hbm>> -> memref<409600x64xf32, #tpu.memory_space<hbm>>
    tpu.enqueue_indirect_dma source(%dma_start3A_43 : memref<409600x64xf32, #tpu.memory_space<hbm>>) target(%dma_start3A_37 : memref<128x64xf32, #tpu.memory_space<vmem>>) offsets(%dma_start3A_40 : memref<128xi32, #tpu.memory_space<vmem>>) semaphore(%arg8 : memref<!tpu.dma_semaphore, #tpu.memory_space<semaphore_mem>>)
    %dma_start3A_44 = arith.constant 4 : i32
    %dma_start3A_45 = arith.constant 0 : i32
    %dma_start3A_46 = arith.constant 0 : i32
    %dma_start3A_47 = tpu.memref_slice %arg7[%dma_start3A_45, %dma_start3A_46] : memref<512x64xf32, #tpu.memory_space<vmem>> -> memref<128x64xf32, #tpu.memory_space<vmem>>
    %dma_start3A_48 = arith.constant 0 : i32
    %dma_start3A_49 = tpu.memref_slice %arg5[%dma_start3A_44, %dma_start3A_48] : memref<16x128xi32, #tpu.memory_space<vmem>> -> memref<1x128xi32, #tpu.memory_space<vmem>>
    %dma_start3A_50 = tpu.memref_squeeze %dma_start3A_49 : memref<1x128xi32, #tpu.memory_space<vmem>> -> memref<128xi32, #tpu.memory_space<vmem>>
    %dma_start3A_51 = arith.constant 0 : i32
    %dma_start3A_52 = arith.constant 0 : i32
    %dma_start3A_53 = tpu.memref_slice %arg3[%dma_start3A_51, %dma_start3A_52] : memref<409600x64xf32, #tpu.memory_space<hbm>> -> memref<409600x64xf32, #tpu.memory_space<hbm>>
    tpu.enqueue_indirect_dma source(%dma_start3A_53 : memref<409600x64xf32, #tpu.memory_space<hbm>>) target(%dma_start3A_47 : memref<128x64xf32, #tpu.memory_space<vmem>>) offsets(%dma_start3A_50 : memref<128xi32, #tpu.memory_space<vmem>>) semaphore(%arg9 : memref<!tpu.dma_semaphore, #tpu.memory_space<semaphore_mem>>)
    %dma_start3A_54 = arith.constant 5 : i32
    %dma_start3A_55 = arith.constant 128 : i32
    %dma_start3A_56 = arith.constant 0 : i32
    %dma_start3A_57 = tpu.memref_slice %arg7[%dma_start3A_55, %dma_start3A_56] : memref<512x64xf32, #tpu.memory_space<vmem>> -> memref<128x64xf32, #tpu.memory_space<vmem>>
    %dma_start3A_58 = arith.constant 0 : i32
    %dma_start3A_59 = tpu.memref_slice %arg5[%dma_start3A_54, %dma_start3A_58] : memref<16x128xi32, #tpu.memory_space<vmem>> -> memref<1x128xi32, #tpu.memory_space<vmem>>
    %dma_start3A_60 = tpu.memref_squeeze %dma_start3A_59 : memref<1x128xi32, #tpu.memory_space<vmem>> -> memref<128xi32, #tpu.memory_space<vmem>>
    %dma_start3A_61 = arith.constant 0 : i32
    %dma_start3A_62 = arith.constant 0 : i32
    %dma_start3A_63 = tpu.memref_slice %arg3[%dma_start3A_61, %dma_start3A_62] : memref<409600x64xf32, #tpu.memory_space<hbm>> -> memref<409600x64xf32, #tpu.memory_space<hbm>>
    tpu.enqueue_indirect_dma source(%dma_start3A_63 : memref<409600x64xf32, #tpu.memory_space<hbm>>) target(%dma_start3A_57 : memref<128x64xf32, #tpu.memory_space<vmem>>) offsets(%dma_start3A_60 : memref<128xi32, #tpu.memory_space<vmem>>) semaphore(%arg9 : memref<!tpu.dma_semaphore, #tpu.memory_space<semaphore_mem>>)
    %dma_start3A_64 = arith.constant 6 : i32
    %dma_start3A_65 = arith.constant 256 : i32
    %dma_start3A_66 = arith.constant 0 : i32
    %dma_start3A_67 = tpu.memref_slice %arg7[%dma_start3A_65, %dma_start3A_66] : memref<512x64xf32, #tpu.memory_space<vmem>> -> memref<128x64xf32, #tpu.memory_space<vmem>>
    %dma_start3A_68 = arith.constant 0 : i32
    %dma_start3A_69 = tpu.memref_slice %arg5[%dma_start3A_64, %dma_start3A_68] : memref<16x128xi32, #tpu.memory_space<vmem>> -> memref<1x128xi32, #tpu.memory_space<vmem>>
    %dma_start3A_70 = tpu.memref_squeeze %dma_start3A_69 : memref<1x128xi32, #tpu.memory_space<vmem>> -> memref<128xi32, #tpu.memory_space<vmem>>
    %dma_start3A_71 = arith.constant 0 : i32
    %dma_start3A_72 = arith.constant 0 : i32
    %dma_start3A_73 = tpu.memref_slice %arg3[%dma_start3A_71, %dma_start3A_72] : memref<409600x64xf32, #tpu.memory_space<hbm>> -> memref<409600x64xf32, #tpu.memory_space<hbm>>
    tpu.enqueue_indirect_dma source(%dma_start3A_73 : memref<409600x64xf32, #tpu.memory_space<hbm>>) target(%dma_start3A_67 : memref<128x64xf32, #tpu.memory_space<vmem>>) offsets(%dma_start3A_70 : memref<128xi32, #tpu.memory_space<vmem>>) semaphore(%arg9 : memref<!tpu.dma_semaphore, #tpu.memory_space<semaphore_mem>>)
    %dma_start3A_74 = arith.constant 7 : i32
    %dma_start3A_75 = arith.constant 384 : i32
    %dma_start3A_76 = arith.constant 0 : i32
    %dma_start3A_77 = tpu.memref_slice %arg7[%dma_start3A_75, %dma_start3A_76] : memref<512x64xf32, #tpu.memory_space<vmem>> -> memref<128x64xf32, #tpu.memory_space<vmem>>
    %dma_start3A_78 = arith.constant 0 : i32
    %dma_start3A_79 = tpu.memref_slice %arg5[%dma_start3A_74, %dma_start3A_78] : memref<16x128xi32, #tpu.memory_space<vmem>> -> memref<1x128xi32, #tpu.memory_space<vmem>>
    %dma_start3A_80 = tpu.memref_squeeze %dma_start3A_79 : memref<1x128xi32, #tpu.memory_space<vmem>> -> memref<128xi32, #tpu.memory_space<vmem>>
    %dma_start3A_81 = arith.constant 0 : i32
    %dma_start3A_82 = arith.constant 0 : i32
    %dma_start3A_83 = tpu.memref_slice %arg3[%dma_start3A_81, %dma_start3A_82] : memref<409600x64xf32, #tpu.memory_space<hbm>> -> memref<409600x64xf32, #tpu.memory_space<hbm>>
    tpu.enqueue_indirect_dma source(%dma_start3A_83 : memref<409600x64xf32, #tpu.memory_space<hbm>>) target(%dma_start3A_77 : memref<128x64xf32, #tpu.memory_space<vmem>>) offsets(%dma_start3A_80 : memref<128xi32, #tpu.memory_space<vmem>>) semaphore(%arg9 : memref<!tpu.dma_semaphore, #tpu.memory_space<semaphore_mem>>)
    %dma_wait3A = arith.constant 0 : i32
    %dma_wait3A_84 = arith.constant 0 : i32
    %dma_wait3A_85 = arith.constant 0 : i32
    %dma_wait3A_86 = tpu.memref_slice %arg6[%dma_wait3A_84, %dma_wait3A_85] : memref<512x64xf32, #tpu.memory_space<vmem>> -> memref<128x64xf32, #tpu.memory_space<vmem>>
    %dma_wait3A_87 = arith.constant 0 : i32
    %dma_wait3A_88 = tpu.memref_slice %arg5[%dma_wait3A, %dma_wait3A_87] : memref<16x128xi32, #tpu.memory_space<vmem>> -> memref<1x128xi32, #tpu.memory_space<vmem>>
    %dma_wait3A_89 = tpu.memref_squeeze %dma_wait3A_88 : memref<1x128xi32, #tpu.memory_space<vmem>> -> memref<128xi32, #tpu.memory_space<vmem>>
    %dma_wait3A_90 = arith.constant 0 : i32
    %dma_wait3A_91 = arith.constant 0 : i32
    %dma_wait3A_92 = tpu.memref_slice %arg3[%dma_wait3A_90, %dma_wait3A_91] : memref<409600x64xf32, #tpu.memory_space<hbm>> -> memref<409600x64xf32, #tpu.memory_space<hbm>>
    tpu.wait_indirect_dma semaphore(%arg8 : memref<!tpu.dma_semaphore, #tpu.memory_space<semaphore_mem>>) src(%dma_wait3A_92 : memref<409600x64xf32, #tpu.memory_space<hbm>>) dst(%dma_wait3A_86 : memref<128x64xf32, #tpu.memory_space<vmem>>)
    %dma_wait3A_93 = arith.constant 1 : i32
    %dma_wait3A_94 = arith.constant 128 : i32
    %dma_wait3A_95 = arith.constant 0 : i32
    %dma_wait3A_96 = tpu.memref_slice %arg6[%dma_wait3A_94, %dma_wait3A_95] : memref<512x64xf32, #tpu.memory_space<vmem>> -> memref<128x64xf32, #tpu.memory_space<vmem>>
    %dma_wait3A_97 = arith.constant 0 : i32
    %dma_wait3A_98 = tpu.memref_slice %arg5[%dma_wait3A_93, %dma_wait3A_97] : memref<16x128xi32, #tpu.memory_space<vmem>> -> memref<1x128xi32, #tpu.memory_space<vmem>>
    %dma_wait3A_99 = tpu.memref_squeeze %dma_wait3A_98 : memref<1x128xi32, #tpu.memory_space<vmem>> -> memref<128xi32, #tpu.memory_space<vmem>>
    %dma_wait3A_100 = arith.constant 0 : i32
    %dma_wait3A_101 = arith.constant 0 : i32
    %dma_wait3A_102 = tpu.memref_slice %arg3[%dma_wait3A_100, %dma_wait3A_101] : memref<409600x64xf32, #tpu.memory_space<hbm>> -> memref<409600x64xf32, #tpu.memory_space<hbm>>
    tpu.wait_indirect_dma semaphore(%arg8 : memref<!tpu.dma_semaphore, #tpu.memory_space<semaphore_mem>>) src(%dma_wait3A_102 : memref<409600x64xf32, #tpu.memory_space<hbm>>) dst(%dma_wait3A_96 : memref<128x64xf32, #tpu.memory_space<vmem>>)
    %dma_wait3A_103 = arith.constant 2 : i32
    %dma_wait3A_104 = arith.constant 256 : i32
    %dma_wait3A_105 = arith.constant 0 : i32
    %dma_wait3A_106 = tpu.memref_slice %arg6[%dma_wait3A_104, %dma_wait3A_105] : memref<512x64xf32, #tpu.memory_space<vmem>> -> memref<128x64xf32, #tpu.memory_space<vmem>>
    %dma_wait3A_107 = arith.constant 0 : i32
    %dma_wait3A_108 = tpu.memref_slice %arg5[%dma_wait3A_103, %dma_wait3A_107] : memref<16x128xi32, #tpu.memory_space<vmem>> -> memref<1x128xi32, #tpu.memory_space<vmem>>
    %dma_wait3A_109 = tpu.memref_squeeze %dma_wait3A_108 : memref<1x128xi32, #tpu.memory_space<vmem>> -> memref<128xi32, #tpu.memory_space<vmem>>
    %dma_wait3A_110 = arith.constant 0 : i32
    %dma_wait3A_111 = arith.constant 0 : i32
    %dma_wait3A_112 = tpu.memref_slice %arg3[%dma_wait3A_110, %dma_wait3A_111] : memref<409600x64xf32, #tpu.memory_space<hbm>> -> memref<409600x64xf32, #tpu.memory_space<hbm>>
    tpu.wait_indirect_dma semaphore(%arg8 : memref<!tpu.dma_semaphore, #tpu.memory_space<semaphore_mem>>) src(%dma_wait3A_112 : memref<409600x64xf32, #tpu.memory_space<hbm>>) dst(%dma_wait3A_106 : memref<128x64xf32, #tpu.memory_space<vmem>>)
    %dma_wait3A_113 = arith.constant 3 : i32
    %dma_wait3A_114 = arith.constant 384 : i32
    %dma_wait3A_115 = arith.constant 0 : i32
    %dma_wait3A_116 = tpu.memref_slice %arg6[%dma_wait3A_114, %dma_wait3A_115] : memref<512x64xf32, #tpu.memory_space<vmem>> -> memref<128x64xf32, #tpu.memory_space<vmem>>
    %dma_wait3A_117 = arith.constant 0 : i32
    %dma_wait3A_118 = tpu.memref_slice %arg5[%dma_wait3A_113, %dma_wait3A_117] : memref<16x128xi32, #tpu.memory_space<vmem>> -> memref<1x128xi32, #tpu.memory_space<vmem>>
    %dma_wait3A_119 = tpu.memref_squeeze %dma_wait3A_118 : memref<1x128xi32, #tpu.memory_space<vmem>> -> memref<128xi32, #tpu.memory_space<vmem>>
    %dma_wait3A_120 = arith.constant 0 : i32
    %dma_wait3A_121 = arith.constant 0 : i32
    %dma_wait3A_122 = tpu.memref_slice %arg3[%dma_wait3A_120, %dma_wait3A_121] : memref<409600x64xf32, #tpu.memory_space<hbm>> -> memref<409600x64xf32, #tpu.memory_space<hbm>>
    tpu.wait_indirect_dma semaphore(%arg8 : memref<!tpu.dma_semaphore, #tpu.memory_space<semaphore_mem>>) src(%dma_wait3A_122 : memref<409600x64xf32, #tpu.memory_space<hbm>>) dst(%dma_wait3A_116 : memref<128x64xf32, #tpu.memory_space<vmem>>)
    %add3A_123 = arith.constant 0 : i32
    %add3A_124 = arith.addi %mul3A_2, %add3A_123 : i32
    "tpu.region"() ({
      %run_scoped3A = tpu.sem_alloc : memref<!tpu.dma_semaphore, #tpu.memory_space<semaphore_mem>>
      %dma_start3A_331 = arith.constant 0 : i32
      %dma_start3A_332 = tpu.memref_slice %arg4[%add3A_124, %dma_start3A_331] : memref<65536x64xf32, #tpu.memory_space<hbm>> -> memref<512x64xf32, #tpu.memory_space<hbm>>
      %dma_start3A_333 = arith.constant 0 : i32
      %dma_start3A_334 = tpu.memref_slice %arg4[%add3A_124, %dma_start3A_333] : memref<65536x64xf32, #tpu.memory_space<hbm>> -> memref<512x64xf32, #tpu.memory_space<hbm>>
      tpu.enqueue_dma source(%arg6 : memref<512x64xf32, #tpu.memory_space<vmem>>) target(%dma_start3A_334 : memref<512x64xf32, #tpu.memory_space<hbm>>) target_semaphore(%run_scoped3A : memref<!tpu.dma_semaphore, #tpu.memory_space<semaphore_mem>>)
      %dma_wait3A_335 = arith.constant 0 : i32
      %dma_wait3A_336 = tpu.memref_slice %arg4[%add3A_124, %dma_wait3A_335] : memref<65536x64xf32, #tpu.memory_space<hbm>> -> memref<512x64xf32, #tpu.memory_space<hbm>>
      %dma_wait3A_337 = arith.constant 0 : i32
      %dma_wait3A_338 = tpu.memref_slice %arg4[%add3A_124, %dma_wait3A_337] : memref<65536x64xf32, #tpu.memory_space<hbm>> -> memref<512x64xf32, #tpu.memory_space<hbm>>
      tpu.wait_dma2 semaphore(%run_scoped3A : memref<!tpu.dma_semaphore, #tpu.memory_space<semaphore_mem>>) src(%arg6 : memref<512x64xf32, #tpu.memory_space<vmem>>) dst(%dma_wait3A_338 : memref<512x64xf32, #tpu.memory_space<hbm>>)
      tpu.yield
    }) : () -> ()
    %dma_start3A_125 = arith.constant 8 : i32
    %dma_start3A_126 = arith.constant 0 : i32
    %dma_start3A_127 = arith.constant 0 : i32
    %dma_start3A_128 = tpu.memref_slice %arg6[%dma_start3A_126, %dma_start3A_127] : memref<512x64xf32, #tpu.memory_space<vmem>> -> memref<128x64xf32, #tpu.memory_space<vmem>>
    %dma_start3A_129 = arith.constant 0 : i32
    %dma_start3A_130 = tpu.memref_slice %arg5[%dma_start3A_125, %dma_start3A_129] : memref<16x128xi32, #tpu.memory_space<vmem>> -> memref<1x128xi32, #tpu.memory_space<vmem>>
    %dma_start3A_131 = tpu.memref_squeeze %dma_start3A_130 : memref<1x128xi32, #tpu.memory_space<vmem>> -> memref<128xi32, #tpu.memory_space<vmem>>
    %dma_start3A_132 = arith.constant 0 : i32
    %dma_start3A_133 = arith.constant 0 : i32
    %dma_start3A_134 = tpu.memref_slice %arg3[%dma_start3A_132, %dma_start3A_133] : memref<409600x64xf32, #tpu.memory_space<hbm>> -> memref<409600x64xf32, #tpu.memory_space<hbm>>
    tpu.enqueue_indirect_dma source(%dma_start3A_134 : memref<409600x64xf32, #tpu.memory_space<hbm>>) target(%dma_start3A_128 : memref<128x64xf32, #tpu.memory_space<vmem>>) offsets(%dma_start3A_131 : memref<128xi32, #tpu.memory_space<vmem>>) semaphore(%arg8 : memref<!tpu.dma_semaphore, #tpu.memory_space<semaphore_mem>>)
    %dma_start3A_135 = arith.constant 9 : i32
    %dma_start3A_136 = arith.constant 128 : i32
    %dma_start3A_137 = arith.constant 0 : i32
    %dma_start3A_138 = tpu.memref_slice %arg6[%dma_start3A_136, %dma_start3A_137] : memref<512x64xf32, #tpu.memory_space<vmem>> -> memref<128x64xf32, #tpu.memory_space<vmem>>
    %dma_start3A_139 = arith.constant 0 : i32
    %dma_start3A_140 = tpu.memref_slice %arg5[%dma_start3A_135, %dma_start3A_139] : memref<16x128xi32, #tpu.memory_space<vmem>> -> memref<1x128xi32, #tpu.memory_space<vmem>>
    %dma_start3A_141 = tpu.memref_squeeze %dma_start3A_140 : memref<1x128xi32, #tpu.memory_space<vmem>> -> memref<128xi32, #tpu.memory_space<vmem>>
    %dma_start3A_142 = arith.constant 0 : i32
    %dma_start3A_143 = arith.constant 0 : i32
    %dma_start3A_144 = tpu.memref_slice %arg3[%dma_start3A_142, %dma_start3A_143] : memref<409600x64xf32, #tpu.memory_space<hbm>> -> memref<409600x64xf32, #tpu.memory_space<hbm>>
    tpu.enqueue_indirect_dma source(%dma_start3A_144 : memref<409600x64xf32, #tpu.memory_space<hbm>>) target(%dma_start3A_138 : memref<128x64xf32, #tpu.memory_space<vmem>>) offsets(%dma_start3A_141 : memref<128xi32, #tpu.memory_space<vmem>>) semaphore(%arg8 : memref<!tpu.dma_semaphore, #tpu.memory_space<semaphore_mem>>)
    %dma_start3A_145 = arith.constant 10 : i32
    %dma_start3A_146 = arith.constant 256 : i32
    %dma_start3A_147 = arith.constant 0 : i32
    %dma_start3A_148 = tpu.memref_slice %arg6[%dma_start3A_146, %dma_start3A_147] : memref<512x64xf32, #tpu.memory_space<vmem>> -> memref<128x64xf32, #tpu.memory_space<vmem>>
    %dma_start3A_149 = arith.constant 0 : i32
    %dma_start3A_150 = tpu.memref_slice %arg5[%dma_start3A_145, %dma_start3A_149] : memref<16x128xi32, #tpu.memory_space<vmem>> -> memref<1x128xi32, #tpu.memory_space<vmem>>
    %dma_start3A_151 = tpu.memref_squeeze %dma_start3A_150 : memref<1x128xi32, #tpu.memory_space<vmem>> -> memref<128xi32, #tpu.memory_space<vmem>>
    %dma_start3A_152 = arith.constant 0 : i32
    %dma_start3A_153 = arith.constant 0 : i32
    %dma_start3A_154 = tpu.memref_slice %arg3[%dma_start3A_152, %dma_start3A_153] : memref<409600x64xf32, #tpu.memory_space<hbm>> -> memref<409600x64xf32, #tpu.memory_space<hbm>>
    tpu.enqueue_indirect_dma source(%dma_start3A_154 : memref<409600x64xf32, #tpu.memory_space<hbm>>) target(%dma_start3A_148 : memref<128x64xf32, #tpu.memory_space<vmem>>) offsets(%dma_start3A_151 : memref<128xi32, #tpu.memory_space<vmem>>) semaphore(%arg8 : memref<!tpu.dma_semaphore, #tpu.memory_space<semaphore_mem>>)
    %dma_start3A_155 = arith.constant 11 : i32
    %dma_start3A_156 = arith.constant 384 : i32
    %dma_start3A_157 = arith.constant 0 : i32
    %dma_start3A_158 = tpu.memref_slice %arg6[%dma_start3A_156, %dma_start3A_157] : memref<512x64xf32, #tpu.memory_space<vmem>> -> memref<128x64xf32, #tpu.memory_space<vmem>>
    %dma_start3A_159 = arith.constant 0 : i32
    %dma_start3A_160 = tpu.memref_slice %arg5[%dma_start3A_155, %dma_start3A_159] : memref<16x128xi32, #tpu.memory_space<vmem>> -> memref<1x128xi32, #tpu.memory_space<vmem>>
    %dma_start3A_161 = tpu.memref_squeeze %dma_start3A_160 : memref<1x128xi32, #tpu.memory_space<vmem>> -> memref<128xi32, #tpu.memory_space<vmem>>
    %dma_start3A_162 = arith.constant 0 : i32
    %dma_start3A_163 = arith.constant 0 : i32
    %dma_start3A_164 = tpu.memref_slice %arg3[%dma_start3A_162, %dma_start3A_163] : memref<409600x64xf32, #tpu.memory_space<hbm>> -> memref<409600x64xf32, #tpu.memory_space<hbm>>
    tpu.enqueue_indirect_dma source(%dma_start3A_164 : memref<409600x64xf32, #tpu.memory_space<hbm>>) target(%dma_start3A_158 : memref<128x64xf32, #tpu.memory_space<vmem>>) offsets(%dma_start3A_161 : memref<128xi32, #tpu.memory_space<vmem>>) semaphore(%arg8 : memref<!tpu.dma_semaphore, #tpu.memory_space<semaphore_mem>>)
    %dma_wait3A_165 = arith.constant 4 : i32
    %dma_wait3A_166 = arith.constant 0 : i32
    %dma_wait3A_167 = arith.constant 0 : i32
    %dma_wait3A_168 = tpu.memref_slice %arg7[%dma_wait3A_166, %dma_wait3A_167] : memref<512x64xf32, #tpu.memory_space<vmem>> -> memref<128x64xf32, #tpu.memory_space<vmem>>
    %dma_wait3A_169 = arith.constant 0 : i32
    %dma_wait3A_170 = tpu.memref_slice %arg5[%dma_wait3A_165, %dma_wait3A_169] : memref<16x128xi32, #tpu.memory_space<vmem>> -> memref<1x128xi32, #tpu.memory_space<vmem>>
    %dma_wait3A_171 = tpu.memref_squeeze %dma_wait3A_170 : memref<1x128xi32, #tpu.memory_space<vmem>> -> memref<128xi32, #tpu.memory_space<vmem>>
    %dma_wait3A_172 = arith.constant 0 : i32
    %dma_wait3A_173 = arith.constant 0 : i32
    %dma_wait3A_174 = tpu.memref_slice %arg3[%dma_wait3A_172, %dma_wait3A_173] : memref<409600x64xf32, #tpu.memory_space<hbm>> -> memref<409600x64xf32, #tpu.memory_space<hbm>>
    tpu.wait_indirect_dma semaphore(%arg9 : memref<!tpu.dma_semaphore, #tpu.memory_space<semaphore_mem>>) src(%dma_wait3A_174 : memref<409600x64xf32, #tpu.memory_space<hbm>>) dst(%dma_wait3A_168 : memref<128x64xf32, #tpu.memory_space<vmem>>)
    %dma_wait3A_175 = arith.constant 5 : i32
    %dma_wait3A_176 = arith.constant 128 : i32
    %dma_wait3A_177 = arith.constant 0 : i32
    %dma_wait3A_178 = tpu.memref_slice %arg7[%dma_wait3A_176, %dma_wait3A_177] : memref<512x64xf32, #tpu.memory_space<vmem>> -> memref<128x64xf32, #tpu.memory_space<vmem>>
    %dma_wait3A_179 = arith.constant 0 : i32
    %dma_wait3A_180 = tpu.memref_slice %arg5[%dma_wait3A_175, %dma_wait3A_179] : memref<16x128xi32, #tpu.memory_space<vmem>> -> memref<1x128xi32, #tpu.memory_space<vmem>>
    %dma_wait3A_181 = tpu.memref_squeeze %dma_wait3A_180 : memref<1x128xi32, #tpu.memory_space<vmem>> -> memref<128xi32, #tpu.memory_space<vmem>>
    %dma_wait3A_182 = arith.constant 0 : i32
    %dma_wait3A_183 = arith.constant 0 : i32
    %dma_wait3A_184 = tpu.memref_slice %arg3[%dma_wait3A_182, %dma_wait3A_183] : memref<409600x64xf32, #tpu.memory_space<hbm>> -> memref<409600x64xf32, #tpu.memory_space<hbm>>
    tpu.wait_indirect_dma semaphore(%arg9 : memref<!tpu.dma_semaphore, #tpu.memory_space<semaphore_mem>>) src(%dma_wait3A_184 : memref<409600x64xf32, #tpu.memory_space<hbm>>) dst(%dma_wait3A_178 : memref<128x64xf32, #tpu.memory_space<vmem>>)
    %dma_wait3A_185 = arith.constant 6 : i32
    %dma_wait3A_186 = arith.constant 256 : i32
    %dma_wait3A_187 = arith.constant 0 : i32
    %dma_wait3A_188 = tpu.memref_slice %arg7[%dma_wait3A_186, %dma_wait3A_187] : memref<512x64xf32, #tpu.memory_space<vmem>> -> memref<128x64xf32, #tpu.memory_space<vmem>>
    %dma_wait3A_189 = arith.constant 0 : i32
    %dma_wait3A_190 = tpu.memref_slice %arg5[%dma_wait3A_185, %dma_wait3A_189] : memref<16x128xi32, #tpu.memory_space<vmem>> -> memref<1x128xi32, #tpu.memory_space<vmem>>
    %dma_wait3A_191 = tpu.memref_squeeze %dma_wait3A_190 : memref<1x128xi32, #tpu.memory_space<vmem>> -> memref<128xi32, #tpu.memory_space<vmem>>
    %dma_wait3A_192 = arith.constant 0 : i32
    %dma_wait3A_193 = arith.constant 0 : i32
    %dma_wait3A_194 = tpu.memref_slice %arg3[%dma_wait3A_192, %dma_wait3A_193] : memref<409600x64xf32, #tpu.memory_space<hbm>> -> memref<409600x64xf32, #tpu.memory_space<hbm>>
    tpu.wait_indirect_dma semaphore(%arg9 : memref<!tpu.dma_semaphore, #tpu.memory_space<semaphore_mem>>) src(%dma_wait3A_194 : memref<409600x64xf32, #tpu.memory_space<hbm>>) dst(%dma_wait3A_188 : memref<128x64xf32, #tpu.memory_space<vmem>>)
    %dma_wait3A_195 = arith.constant 7 : i32
    %dma_wait3A_196 = arith.constant 384 : i32
    %dma_wait3A_197 = arith.constant 0 : i32
    %dma_wait3A_198 = tpu.memref_slice %arg7[%dma_wait3A_196, %dma_wait3A_197] : memref<512x64xf32, #tpu.memory_space<vmem>> -> memref<128x64xf32, #tpu.memory_space<vmem>>
    %dma_wait3A_199 = arith.constant 0 : i32
    %dma_wait3A_200 = tpu.memref_slice %arg5[%dma_wait3A_195, %dma_wait3A_199] : memref<16x128xi32, #tpu.memory_space<vmem>> -> memref<1x128xi32, #tpu.memory_space<vmem>>
    %dma_wait3A_201 = tpu.memref_squeeze %dma_wait3A_200 : memref<1x128xi32, #tpu.memory_space<vmem>> -> memref<128xi32, #tpu.memory_space<vmem>>
    %dma_wait3A_202 = arith.constant 0 : i32
    %dma_wait3A_203 = arith.constant 0 : i32
    %dma_wait3A_204 = tpu.memref_slice %arg3[%dma_wait3A_202, %dma_wait3A_203] : memref<409600x64xf32, #tpu.memory_space<hbm>> -> memref<409600x64xf32, #tpu.memory_space<hbm>>
    tpu.wait_indirect_dma semaphore(%arg9 : memref<!tpu.dma_semaphore, #tpu.memory_space<semaphore_mem>>) src(%dma_wait3A_204 : memref<409600x64xf32, #tpu.memory_space<hbm>>) dst(%dma_wait3A_198 : memref<128x64xf32, #tpu.memory_space<vmem>>)
    %add3A_205 = arith.constant 512 : i32
    %add3A_206 = arith.addi %mul3A_2, %add3A_205 : i32
    "tpu.region"() ({
      %run_scoped3A = tpu.sem_alloc : memref<!tpu.dma_semaphore, #tpu.memory_space<semaphore_mem>>
      %dma_start3A_331 = arith.constant 0 : i32
      %dma_start3A_332 = tpu.memref_slice %arg4[%add3A_206, %dma_start3A_331] : memref<65536x64xf32, #tpu.memory_space<hbm>> -> memref<512x64xf32, #tpu.memory_space<hbm>>
      %dma_start3A_333 = arith.constant 0 : i32
      %dma_start3A_334 = tpu.memref_slice %arg4[%add3A_206, %dma_start3A_333] : memref<65536x64xf32, #tpu.memory_space<hbm>> -> memref<512x64xf32, #tpu.memory_space<hbm>>
      tpu.enqueue_dma source(%arg7 : memref<512x64xf32, #tpu.memory_space<vmem>>) target(%dma_start3A_334 : memref<512x64xf32, #tpu.memory_space<hbm>>) target_semaphore(%run_scoped3A : memref<!tpu.dma_semaphore, #tpu.memory_space<semaphore_mem>>)
      %dma_wait3A_335 = arith.constant 0 : i32
      %dma_wait3A_336 = tpu.memref_slice %arg4[%add3A_206, %dma_wait3A_335] : memref<65536x64xf32, #tpu.memory_space<hbm>> -> memref<512x64xf32, #tpu.memory_space<hbm>>
      %dma_wait3A_337 = arith.constant 0 : i32
      %dma_wait3A_338 = tpu.memref_slice %arg4[%add3A_206, %dma_wait3A_337] : memref<65536x64xf32, #tpu.memory_space<hbm>> -> memref<512x64xf32, #tpu.memory_space<hbm>>
      tpu.wait_dma2 semaphore(%run_scoped3A : memref<!tpu.dma_semaphore, #tpu.memory_space<semaphore_mem>>) src(%arg7 : memref<512x64xf32, #tpu.memory_space<vmem>>) dst(%dma_wait3A_338 : memref<512x64xf32, #tpu.memory_space<hbm>>)
      tpu.yield
    }) : () -> ()
    %dma_start3A_207 = arith.constant 12 : i32
    %dma_start3A_208 = arith.constant 0 : i32
    %dma_start3A_209 = arith.constant 0 : i32
    %dma_start3A_210 = tpu.memref_slice %arg7[%dma_start3A_208, %dma_start3A_209] : memref<512x64xf32, #tpu.memory_space<vmem>> -> memref<128x64xf32, #tpu.memory_space<vmem>>
    %dma_start3A_211 = arith.constant 0 : i32
    %dma_start3A_212 = tpu.memref_slice %arg5[%dma_start3A_207, %dma_start3A_211] : memref<16x128xi32, #tpu.memory_space<vmem>> -> memref<1x128xi32, #tpu.memory_space<vmem>>
    %dma_start3A_213 = tpu.memref_squeeze %dma_start3A_212 : memref<1x128xi32, #tpu.memory_space<vmem>> -> memref<128xi32, #tpu.memory_space<vmem>>
    %dma_start3A_214 = arith.constant 0 : i32
    %dma_start3A_215 = arith.constant 0 : i32
    %dma_start3A_216 = tpu.memref_slice %arg3[%dma_start3A_214, %dma_start3A_215] : memref<409600x64xf32, #tpu.memory_space<hbm>> -> memref<409600x64xf32, #tpu.memory_space<hbm>>
    tpu.enqueue_indirect_dma source(%dma_start3A_216 : memref<409600x64xf32, #tpu.memory_space<hbm>>) target(%dma_start3A_210 : memref<128x64xf32, #tpu.memory_space<vmem>>) offsets(%dma_start3A_213 : memref<128xi32, #tpu.memory_space<vmem>>) semaphore(%arg9 : memref<!tpu.dma_semaphore, #tpu.memory_space<semaphore_mem>>)
    %dma_start3A_217 = arith.constant 13 : i32
    %dma_start3A_218 = arith.constant 128 : i32
    %dma_start3A_219 = arith.constant 0 : i32
    %dma_start3A_220 = tpu.memref_slice %arg7[%dma_start3A_218, %dma_start3A_219] : memref<512x64xf32, #tpu.memory_space<vmem>> -> memref<128x64xf32, #tpu.memory_space<vmem>>
    %dma_start3A_221 = arith.constant 0 : i32
    %dma_start3A_222 = tpu.memref_slice %arg5[%dma_start3A_217, %dma_start3A_221] : memref<16x128xi32, #tpu.memory_space<vmem>> -> memref<1x128xi32, #tpu.memory_space<vmem>>
    %dma_start3A_223 = tpu.memref_squeeze %dma_start3A_222 : memref<1x128xi32, #tpu.memory_space<vmem>> -> memref<128xi32, #tpu.memory_space<vmem>>
    %dma_start3A_224 = arith.constant 0 : i32
    %dma_start3A_225 = arith.constant 0 : i32
    %dma_start3A_226 = tpu.memref_slice %arg3[%dma_start3A_224, %dma_start3A_225] : memref<409600x64xf32, #tpu.memory_space<hbm>> -> memref<409600x64xf32, #tpu.memory_space<hbm>>
    tpu.enqueue_indirect_dma source(%dma_start3A_226 : memref<409600x64xf32, #tpu.memory_space<hbm>>) target(%dma_start3A_220 : memref<128x64xf32, #tpu.memory_space<vmem>>) offsets(%dma_start3A_223 : memref<128xi32, #tpu.memory_space<vmem>>) semaphore(%arg9 : memref<!tpu.dma_semaphore, #tpu.memory_space<semaphore_mem>>)
    %dma_start3A_227 = arith.constant 14 : i32
    %dma_start3A_228 = arith.constant 256 : i32
    %dma_start3A_229 = arith.constant 0 : i32
    %dma_start3A_230 = tpu.memref_slice %arg7[%dma_start3A_228, %dma_start3A_229] : memref<512x64xf32, #tpu.memory_space<vmem>> -> memref<128x64xf32, #tpu.memory_space<vmem>>
    %dma_start3A_231 = arith.constant 0 : i32
    %dma_start3A_232 = tpu.memref_slice %arg5[%dma_start3A_227, %dma_start3A_231] : memref<16x128xi32, #tpu.memory_space<vmem>> -> memref<1x128xi32, #tpu.memory_space<vmem>>
    %dma_start3A_233 = tpu.memref_squeeze %dma_start3A_232 : memref<1x128xi32, #tpu.memory_space<vmem>> -> memref<128xi32, #tpu.memory_space<vmem>>
    %dma_start3A_234 = arith.constant 0 : i32
    %dma_start3A_235 = arith.constant 0 : i32
    %dma_start3A_236 = tpu.memref_slice %arg3[%dma_start3A_234, %dma_start3A_235] : memref<409600x64xf32, #tpu.memory_space<hbm>> -> memref<409600x64xf32, #tpu.memory_space<hbm>>
    tpu.enqueue_indirect_dma source(%dma_start3A_236 : memref<409600x64xf32, #tpu.memory_space<hbm>>) target(%dma_start3A_230 : memref<128x64xf32, #tpu.memory_space<vmem>>) offsets(%dma_start3A_233 : memref<128xi32, #tpu.memory_space<vmem>>) semaphore(%arg9 : memref<!tpu.dma_semaphore, #tpu.memory_space<semaphore_mem>>)
    %dma_start3A_237 = arith.constant 15 : i32
    %dma_start3A_238 = arith.constant 384 : i32
    %dma_start3A_239 = arith.constant 0 : i32
    %dma_start3A_240 = tpu.memref_slice %arg7[%dma_start3A_238, %dma_start3A_239] : memref<512x64xf32, #tpu.memory_space<vmem>> -> memref<128x64xf32, #tpu.memory_space<vmem>>
    %dma_start3A_241 = arith.constant 0 : i32
    %dma_start3A_242 = tpu.memref_slice %arg5[%dma_start3A_237, %dma_start3A_241] : memref<16x128xi32, #tpu.memory_space<vmem>> -> memref<1x128xi32, #tpu.memory_space<vmem>>
    %dma_start3A_243 = tpu.memref_squeeze %dma_start3A_242 : memref<1x128xi32, #tpu.memory_space<vmem>> -> memref<128xi32, #tpu.memory_space<vmem>>
    %dma_start3A_244 = arith.constant 0 : i32
    %dma_start3A_245 = arith.constant 0 : i32
    %dma_start3A_246 = tpu.memref_slice %arg3[%dma_start3A_244, %dma_start3A_245] : memref<409600x64xf32, #tpu.memory_space<hbm>> -> memref<409600x64xf32, #tpu.memory_space<hbm>>
    tpu.enqueue_indirect_dma source(%dma_start3A_246 : memref<409600x64xf32, #tpu.memory_space<hbm>>) target(%dma_start3A_240 : memref<128x64xf32, #tpu.memory_space<vmem>>) offsets(%dma_start3A_243 : memref<128xi32, #tpu.memory_space<vmem>>) semaphore(%arg9 : memref<!tpu.dma_semaphore, #tpu.memory_space<semaphore_mem>>)
    %dma_wait3A_247 = arith.constant 8 : i32
    %dma_wait3A_248 = arith.constant 0 : i32
    %dma_wait3A_249 = arith.constant 0 : i32
    %dma_wait3A_250 = tpu.memref_slice %arg6[%dma_wait3A_248, %dma_wait3A_249] : memref<512x64xf32, #tpu.memory_space<vmem>> -> memref<128x64xf32, #tpu.memory_space<vmem>>
    %dma_wait3A_251 = arith.constant 0 : i32
    %dma_wait3A_252 = tpu.memref_slice %arg5[%dma_wait3A_247, %dma_wait3A_251] : memref<16x128xi32, #tpu.memory_space<vmem>> -> memref<1x128xi32, #tpu.memory_space<vmem>>
    %dma_wait3A_253 = tpu.memref_squeeze %dma_wait3A_252 : memref<1x128xi32, #tpu.memory_space<vmem>> -> memref<128xi32, #tpu.memory_space<vmem>>
    %dma_wait3A_254 = arith.constant 0 : i32
    %dma_wait3A_255 = arith.constant 0 : i32
    %dma_wait3A_256 = tpu.memref_slice %arg3[%dma_wait3A_254, %dma_wait3A_255] : memref<409600x64xf32, #tpu.memory_space<hbm>> -> memref<409600x64xf32, #tpu.memory_space<hbm>>
    tpu.wait_indirect_dma semaphore(%arg8 : memref<!tpu.dma_semaphore, #tpu.memory_space<semaphore_mem>>) src(%dma_wait3A_256 : memref<409600x64xf32, #tpu.memory_space<hbm>>) dst(%dma_wait3A_250 : memref<128x64xf32, #tpu.memory_space<vmem>>)
    %dma_wait3A_257 = arith.constant 9 : i32
    %dma_wait3A_258 = arith.constant 128 : i32
    %dma_wait3A_259 = arith.constant 0 : i32
    %dma_wait3A_260 = tpu.memref_slice %arg6[%dma_wait3A_258, %dma_wait3A_259] : memref<512x64xf32, #tpu.memory_space<vmem>> -> memref<128x64xf32, #tpu.memory_space<vmem>>
    %dma_wait3A_261 = arith.constant 0 : i32
    %dma_wait3A_262 = tpu.memref_slice %arg5[%dma_wait3A_257, %dma_wait3A_261] : memref<16x128xi32, #tpu.memory_space<vmem>> -> memref<1x128xi32, #tpu.memory_space<vmem>>
    %dma_wait3A_263 = tpu.memref_squeeze %dma_wait3A_262 : memref<1x128xi32, #tpu.memory_space<vmem>> -> memref<128xi32, #tpu.memory_space<vmem>>
    %dma_wait3A_264 = arith.constant 0 : i32
    %dma_wait3A_265 = arith.constant 0 : i32
    %dma_wait3A_266 = tpu.memref_slice %arg3[%dma_wait3A_264, %dma_wait3A_265] : memref<409600x64xf32, #tpu.memory_space<hbm>> -> memref<409600x64xf32, #tpu.memory_space<hbm>>
    tpu.wait_indirect_dma semaphore(%arg8 : memref<!tpu.dma_semaphore, #tpu.memory_space<semaphore_mem>>) src(%dma_wait3A_266 : memref<409600x64xf32, #tpu.memory_space<hbm>>) dst(%dma_wait3A_260 : memref<128x64xf32, #tpu.memory_space<vmem>>)
    %dma_wait3A_267 = arith.constant 10 : i32
    %dma_wait3A_268 = arith.constant 256 : i32
    %dma_wait3A_269 = arith.constant 0 : i32
    %dma_wait3A_270 = tpu.memref_slice %arg6[%dma_wait3A_268, %dma_wait3A_269] : memref<512x64xf32, #tpu.memory_space<vmem>> -> memref<128x64xf32, #tpu.memory_space<vmem>>
    %dma_wait3A_271 = arith.constant 0 : i32
    %dma_wait3A_272 = tpu.memref_slice %arg5[%dma_wait3A_267, %dma_wait3A_271] : memref<16x128xi32, #tpu.memory_space<vmem>> -> memref<1x128xi32, #tpu.memory_space<vmem>>
    %dma_wait3A_273 = tpu.memref_squeeze %dma_wait3A_272 : memref<1x128xi32, #tpu.memory_space<vmem>> -> memref<128xi32, #tpu.memory_space<vmem>>
    %dma_wait3A_274 = arith.constant 0 : i32
    %dma_wait3A_275 = arith.constant 0 : i32
    %dma_wait3A_276 = tpu.memref_slice %arg3[%dma_wait3A_274, %dma_wait3A_275] : memref<409600x64xf32, #tpu.memory_space<hbm>> -> memref<409600x64xf32, #tpu.memory_space<hbm>>
    tpu.wait_indirect_dma semaphore(%arg8 : memref<!tpu.dma_semaphore, #tpu.memory_space<semaphore_mem>>) src(%dma_wait3A_276 : memref<409600x64xf32, #tpu.memory_space<hbm>>) dst(%dma_wait3A_270 : memref<128x64xf32, #tpu.memory_space<vmem>>)
    %dma_wait3A_277 = arith.constant 11 : i32
    %dma_wait3A_278 = arith.constant 384 : i32
    %dma_wait3A_279 = arith.constant 0 : i32
    %dma_wait3A_280 = tpu.memref_slice %arg6[%dma_wait3A_278, %dma_wait3A_279] : memref<512x64xf32, #tpu.memory_space<vmem>> -> memref<128x64xf32, #tpu.memory_space<vmem>>
    %dma_wait3A_281 = arith.constant 0 : i32
    %dma_wait3A_282 = tpu.memref_slice %arg5[%dma_wait3A_277, %dma_wait3A_281] : memref<16x128xi32, #tpu.memory_space<vmem>> -> memref<1x128xi32, #tpu.memory_space<vmem>>
    %dma_wait3A_283 = tpu.memref_squeeze %dma_wait3A_282 : memref<1x128xi32, #tpu.memory_space<vmem>> -> memref<128xi32, #tpu.memory_space<vmem>>
    %dma_wait3A_284 = arith.constant 0 : i32
    %dma_wait3A_285 = arith.constant 0 : i32
    %dma_wait3A_286 = tpu.memref_slice %arg3[%dma_wait3A_284, %dma_wait3A_285] : memref<409600x64xf32, #tpu.memory_space<hbm>> -> memref<409600x64xf32, #tpu.memory_space<hbm>>
    tpu.wait_indirect_dma semaphore(%arg8 : memref<!tpu.dma_semaphore, #tpu.memory_space<semaphore_mem>>) src(%dma_wait3A_286 : memref<409600x64xf32, #tpu.memory_space<hbm>>) dst(%dma_wait3A_280 : memref<128x64xf32, #tpu.memory_space<vmem>>)
    %add3A_287 = arith.constant 1024 : i32
    %add3A_288 = arith.addi %mul3A_2, %add3A_287 : i32
    "tpu.region"() ({
      %run_scoped3A = tpu.sem_alloc : memref<!tpu.dma_semaphore, #tpu.memory_space<semaphore_mem>>
      %dma_start3A_331 = arith.constant 0 : i32
      %dma_start3A_332 = tpu.memref_slice %arg4[%add3A_288, %dma_start3A_331] : memref<65536x64xf32, #tpu.memory_space<hbm>> -> memref<512x64xf32, #tpu.memory_space<hbm>>
      %dma_start3A_333 = arith.constant 0 : i32
      %dma_start3A_334 = tpu.memref_slice %arg4[%add3A_288, %dma_start3A_333] : memref<65536x64xf32, #tpu.memory_space<hbm>> -> memref<512x64xf32, #tpu.memory_space<hbm>>
      tpu.enqueue_dma source(%arg6 : memref<512x64xf32, #tpu.memory_space<vmem>>) target(%dma_start3A_334 : memref<512x64xf32, #tpu.memory_space<hbm>>) target_semaphore(%run_scoped3A : memref<!tpu.dma_semaphore, #tpu.memory_space<semaphore_mem>>)
      %dma_wait3A_335 = arith.constant 0 : i32
      %dma_wait3A_336 = tpu.memref_slice %arg4[%add3A_288, %dma_wait3A_335] : memref<65536x64xf32, #tpu.memory_space<hbm>> -> memref<512x64xf32, #tpu.memory_space<hbm>>
      %dma_wait3A_337 = arith.constant 0 : i32
      %dma_wait3A_338 = tpu.memref_slice %arg4[%add3A_288, %dma_wait3A_337] : memref<65536x64xf32, #tpu.memory_space<hbm>> -> memref<512x64xf32, #tpu.memory_space<hbm>>
      tpu.wait_dma2 semaphore(%run_scoped3A : memref<!tpu.dma_semaphore, #tpu.memory_space<semaphore_mem>>) src(%arg6 : memref<512x64xf32, #tpu.memory_space<vmem>>) dst(%dma_wait3A_338 : memref<512x64xf32, #tpu.memory_space<hbm>>)
      tpu.yield
    }) : () -> ()
    %dma_wait3A_289 = arith.constant 12 : i32
    %dma_wait3A_290 = arith.constant 0 : i32
    %dma_wait3A_291 = arith.constant 0 : i32
    %dma_wait3A_292 = tpu.memref_slice %arg7[%dma_wait3A_290, %dma_wait3A_291] : memref<512x64xf32, #tpu.memory_space<vmem>> -> memref<128x64xf32, #tpu.memory_space<vmem>>
    %dma_wait3A_293 = arith.constant 0 : i32
    %dma_wait3A_294 = tpu.memref_slice %arg5[%dma_wait3A_289, %dma_wait3A_293] : memref<16x128xi32, #tpu.memory_space<vmem>> -> memref<1x128xi32, #tpu.memory_space<vmem>>
    %dma_wait3A_295 = tpu.memref_squeeze %dma_wait3A_294 : memref<1x128xi32, #tpu.memory_space<vmem>> -> memref<128xi32, #tpu.memory_space<vmem>>
    %dma_wait3A_296 = arith.constant 0 : i32
    %dma_wait3A_297 = arith.constant 0 : i32
    %dma_wait3A_298 = tpu.memref_slice %arg3[%dma_wait3A_296, %dma_wait3A_297] : memref<409600x64xf32, #tpu.memory_space<hbm>> -> memref<409600x64xf32, #tpu.memory_space<hbm>>
    tpu.wait_indirect_dma semaphore(%arg9 : memref<!tpu.dma_semaphore, #tpu.memory_space<semaphore_mem>>) src(%dma_wait3A_298 : memref<409600x64xf32, #tpu.memory_space<hbm>>) dst(%dma_wait3A_292 : memref<128x64xf32, #tpu.memory_space<vmem>>)
    %dma_wait3A_299 = arith.constant 13 : i32
    %dma_wait3A_300 = arith.constant 128 : i32
    %dma_wait3A_301 = arith.constant 0 : i32
    %dma_wait3A_302 = tpu.memref_slice %arg7[%dma_wait3A_300, %dma_wait3A_301] : memref<512x64xf32, #tpu.memory_space<vmem>> -> memref<128x64xf32, #tpu.memory_space<vmem>>
    %dma_wait3A_303 = arith.constant 0 : i32
    %dma_wait3A_304 = tpu.memref_slice %arg5[%dma_wait3A_299, %dma_wait3A_303] : memref<16x128xi32, #tpu.memory_space<vmem>> -> memref<1x128xi32, #tpu.memory_space<vmem>>
    %dma_wait3A_305 = tpu.memref_squeeze %dma_wait3A_304 : memref<1x128xi32, #tpu.memory_space<vmem>> -> memref<128xi32, #tpu.memory_space<vmem>>
    %dma_wait3A_306 = arith.constant 0 : i32
    %dma_wait3A_307 = arith.constant 0 : i32
    %dma_wait3A_308 = tpu.memref_slice %arg3[%dma_wait3A_306, %dma_wait3A_307] : memref<409600x64xf32, #tpu.memory_space<hbm>> -> memref<409600x64xf32, #tpu.memory_space<hbm>>
    tpu.wait_indirect_dma semaphore(%arg9 : memref<!tpu.dma_semaphore, #tpu.memory_space<semaphore_mem>>) src(%dma_wait3A_308 : memref<409600x64xf32, #tpu.memory_space<hbm>>) dst(%dma_wait3A_302 : memref<128x64xf32, #tpu.memory_space<vmem>>)
    %dma_wait3A_309 = arith.constant 14 : i32
    %dma_wait3A_310 = arith.constant 256 : i32
    %dma_wait3A_311 = arith.constant 0 : i32
    %dma_wait3A_312 = tpu.memref_slice %arg7[%dma_wait3A_310, %dma_wait3A_311] : memref<512x64xf32, #tpu.memory_space<vmem>> -> memref<128x64xf32, #tpu.memory_space<vmem>>
    %dma_wait3A_313 = arith.constant 0 : i32
    %dma_wait3A_314 = tpu.memref_slice %arg5[%dma_wait3A_309, %dma_wait3A_313] : memref<16x128xi32, #tpu.memory_space<vmem>> -> memref<1x128xi32, #tpu.memory_space<vmem>>
    %dma_wait3A_315 = tpu.memref_squeeze %dma_wait3A_314 : memref<1x128xi32, #tpu.memory_space<vmem>> -> memref<128xi32, #tpu.memory_space<vmem>>
    %dma_wait3A_316 = arith.constant 0 : i32
    %dma_wait3A_317 = arith.constant 0 : i32
    %dma_wait3A_318 = tpu.memref_slice %arg3[%dma_wait3A_316, %dma_wait3A_317] : memref<409600x64xf32, #tpu.memory_space<hbm>> -> memref<409600x64xf32, #tpu.memory_space<hbm>>
    tpu.wait_indirect_dma semaphore(%arg9 : memref<!tpu.dma_semaphore, #tpu.memory_space<semaphore_mem>>) src(%dma_wait3A_318 : memref<409600x64xf32, #tpu.memory_space<hbm>>) dst(%dma_wait3A_312 : memref<128x64xf32, #tpu.memory_space<vmem>>)
    %dma_wait3A_319 = arith.constant 15 : i32
    %dma_wait3A_320 = arith.constant 384 : i32
    %dma_wait3A_321 = arith.constant 0 : i32
    %dma_wait3A_322 = tpu.memref_slice %arg7[%dma_wait3A_320, %dma_wait3A_321] : memref<512x64xf32, #tpu.memory_space<vmem>> -> memref<128x64xf32, #tpu.memory_space<vmem>>
    %dma_wait3A_323 = arith.constant 0 : i32
    %dma_wait3A_324 = tpu.memref_slice %arg5[%dma_wait3A_319, %dma_wait3A_323] : memref<16x128xi32, #tpu.memory_space<vmem>> -> memref<1x128xi32, #tpu.memory_space<vmem>>
    %dma_wait3A_325 = tpu.memref_squeeze %dma_wait3A_324 : memref<1x128xi32, #tpu.memory_space<vmem>> -> memref<128xi32, #tpu.memory_space<vmem>>
    %dma_wait3A_326 = arith.constant 0 : i32
    %dma_wait3A_327 = arith.constant 0 : i32
    %dma_wait3A_328 = tpu.memref_slice %arg3[%dma_wait3A_326, %dma_wait3A_327] : memref<409600x64xf32, #tpu.memory_space<hbm>> -> memref<409600x64xf32, #tpu.memory_space<hbm>>
    tpu.wait_indirect_dma semaphore(%arg9 : memref<!tpu.dma_semaphore, #tpu.memory_space<semaphore_mem>>) src(%dma_wait3A_328 : memref<409600x64xf32, #tpu.memory_space<hbm>>) dst(%dma_wait3A_322 : memref<128x64xf32, #tpu.memory_space<vmem>>)
    %add3A_329 = arith.constant 1536 : i32
    %add3A_330 = arith.addi %mul3A_2, %add3A_329 : i32
    "tpu.region"() ({
      %run_scoped3A = tpu.sem_alloc : memref<!tpu.dma_semaphore, #tpu.memory_space<semaphore_mem>>
      %dma_start3A_331 = arith.constant 0 : i32
      %dma_start3A_332 = tpu.memref_slice %arg4[%add3A_330, %dma_start3A_331] : memref<65536x64xf32, #tpu.memory_space<hbm>> -> memref<512x64xf32, #tpu.memory_space<hbm>>
      %dma_start3A_333 = arith.constant 0 : i32
      %dma_start3A_334 = tpu.memref_slice %arg4[%add3A_330, %dma_start3A_333] : memref<65536x64xf32, #tpu.memory_space<hbm>> -> memref<512x64xf32, #tpu.memory_space<hbm>>
      tpu.enqueue_dma source(%arg7 : memref<512x64xf32, #tpu.memory_space<vmem>>) target(%dma_start3A_334 : memref<512x64xf32, #tpu.memory_space<hbm>>) target_semaphore(%run_scoped3A : memref<!tpu.dma_semaphore, #tpu.memory_space<semaphore_mem>>)
      %dma_wait3A_335 = arith.constant 0 : i32
      %dma_wait3A_336 = tpu.memref_slice %arg4[%add3A_330, %dma_wait3A_335] : memref<65536x64xf32, #tpu.memory_space<hbm>> -> memref<512x64xf32, #tpu.memory_space<hbm>>
      %dma_wait3A_337 = arith.constant 0 : i32
      %dma_wait3A_338 = tpu.memref_slice %arg4[%add3A_330, %dma_wait3A_337] : memref<65536x64xf32, #tpu.memory_space<hbm>> -> memref<512x64xf32, #tpu.memory_space<hbm>>
      tpu.wait_dma2 semaphore(%run_scoped3A : memref<!tpu.dma_semaphore, #tpu.memory_space<semaphore_mem>>) src(%arg7 : memref<512x64xf32, #tpu.memory_space<vmem>>) dst(%dma_wait3A_338 : memref<512x64xf32, #tpu.memory_space<hbm>>)
      tpu.yield
    }) : () -> ()
    return
  }
}

module attributes {stable_mosaic.version = 14 : i64} {
  func.func @body(%arg0: i32, %arg1: memref<64x2048xf32, #tpu.memory_space<vmem>>, %arg2: memref<64x2048xf32, #tpu.memory_space<vmem>>, %arg3: memref<64x2048xf32, #tpu.memory_space<vmem>>, %arg4: memref<64x2048xf32, #tpu.memory_space<vmem>>, %arg5: memref<64x2048xf32, #tpu.memory_space<vmem>>, %arg6: memref<64x2048xf32, #tpu.memory_space<vmem>>, %arg7: memref<64x2048xf32, #tpu.memory_space<vmem>>, %arg8: memref<64x2048xf32, #tpu.memory_space<vmem>>, %arg9: memref<4x2048x128xf32, #tpu.memory_space<vmem>>) attributes {dimension_semantics = [#tpu.dimension_semantics<arbitrary>], iteration_bounds = array<i64: 25>, scalar_prefetch = 0 : i64, scratch_operands = 0 : i64, tpu.core_type = #tpu.core_type<tc>, window_params = [{transform_indices = @transform_0, window_bounds = array<i64: 64, 2048>}, {transform_indices = @transform_1, window_bounds = array<i64: 64, 2048>}, {transform_indices = @transform_2, window_bounds = array<i64: 64, 2048>}, {transform_indices = @transform_3, window_bounds = array<i64: 64, 2048>}, {transform_indices = @transform_4, window_bounds = array<i64: 64, 2048>}, {transform_indices = @transform_5, window_bounds = array<i64: 64, 2048>}, {transform_indices = @transform_6, window_bounds = array<i64: 64, 2048>}, {transform_indices = @transform_7, window_bounds = array<i64: 64, 2048>}, {transform_indices = @transform_8, window_bounds = array<i64: 4, 2048, 128>}]} {
    %get3A = arith.constant 0 : index
    %get3A_0 = arith.constant 0 : index
    %get3A_1 = vector.load %arg1[%get3A, %get3A_0] : memref<64x2048xf32, #tpu.memory_space<vmem>>, vector<64x2048xf32>
    %get3A_2 = arith.constant 0 : index
    %get3A_3 = arith.constant 0 : index
    %get3A_4 = vector.load %arg2[%get3A_2, %get3A_3] : memref<64x2048xf32, #tpu.memory_space<vmem>>, vector<64x2048xf32>
    %transpose3A = tpu.transpose %get3A_1, [1, 0] : vector<64x2048xf32> -> vector<2048x64xf32>
    %transpose3A_5 = tpu.transpose %get3A_4, [1, 0] : vector<64x2048xf32> -> vector<2048x64xf32>
    %concatenate3A = tpu.concatenate %transpose3A, %transpose3A_5 in 1 : vector<2048x64xf32>, vector<2048x64xf32> -> vector<2048x128xf32>
    %swap3A = arith.constant 0 : index
    %swap3A_6 = arith.constant 0 : index
    %swap3A_7 = arith.constant 0 : index
    %swap3A_8 = vector.load %arg9[%swap3A, %swap3A_6, %swap3A_7] : memref<4x2048x128xf32, #tpu.memory_space<vmem>>, vector<1x2048x128xf32>
    %swap3A_9 = vector.shape_cast %swap3A_8 : vector<1x2048x128xf32> to vector<2048x128xf32>
    %swap3A_10 = vector.shape_cast %concatenate3A : vector<2048x128xf32> to vector<1x2048x128xf32>
    tpu.vector_store %arg9[%swap3A, %swap3A_6, %swap3A_7], %swap3A_10 {strides = array<i32>} : memref<4x2048x128xf32, #tpu.memory_space<vmem>>, vector<1x2048x128xf32>,
    %get3A_11 = arith.constant 0 : index
    %get3A_12 = arith.constant 0 : index
    %get3A_13 = vector.load %arg3[%get3A_11, %get3A_12] : memref<64x2048xf32, #tpu.memory_space<vmem>>, vector<64x2048xf32>
    %get3A_14 = arith.constant 0 : index
    %get3A_15 = arith.constant 0 : index
    %get3A_16 = vector.load %arg4[%get3A_14, %get3A_15] : memref<64x2048xf32, #tpu.memory_space<vmem>>, vector<64x2048xf32>
    %transpose3A_17 = tpu.transpose %get3A_13, [1, 0] : vector<64x2048xf32> -> vector<2048x64xf32>
    %transpose3A_18 = tpu.transpose %get3A_16, [1, 0] : vector<64x2048xf32> -> vector<2048x64xf32>
    %concatenate3A_19 = tpu.concatenate %transpose3A_17, %transpose3A_18 in 1 : vector<2048x64xf32>, vector<2048x64xf32> -> vector<2048x128xf32>
    %swap3A_20 = arith.constant 1 : index
    %swap3A_21 = arith.constant 0 : index
    %swap3A_22 = arith.constant 0 : index
    %swap3A_23 = vector.load %arg9[%swap3A_20, %swap3A_21, %swap3A_22] : memref<4x2048x128xf32, #tpu.memory_space<vmem>>, vector<1x2048x128xf32>
    %swap3A_24 = vector.shape_cast %swap3A_23 : vector<1x2048x128xf32> to vector<2048x128xf32>
    %swap3A_25 = vector.shape_cast %concatenate3A_19 : vector<2048x128xf32> to vector<1x2048x128xf32>
    tpu.vector_store %arg9[%swap3A_20, %swap3A_21, %swap3A_22], %swap3A_25 {strides = array<i32>} : memref<4x2048x128xf32, #tpu.memory_space<vmem>>, vector<1x2048x128xf32>,
    %get3A_26 = arith.constant 0 : index
    %get3A_27 = arith.constant 0 : index
    %get3A_28 = vector.load %arg5[%get3A_26, %get3A_27] : memref<64x2048xf32, #tpu.memory_space<vmem>>, vector<64x2048xf32>
    %get3A_29 = arith.constant 0 : index
    %get3A_30 = arith.constant 0 : index
    %get3A_31 = vector.load %arg6[%get3A_29, %get3A_30] : memref<64x2048xf32, #tpu.memory_space<vmem>>, vector<64x2048xf32>
    %transpose3A_32 = tpu.transpose %get3A_28, [1, 0] : vector<64x2048xf32> -> vector<2048x64xf32>
    %transpose3A_33 = tpu.transpose %get3A_31, [1, 0] : vector<64x2048xf32> -> vector<2048x64xf32>
    %concatenate3A_34 = tpu.concatenate %transpose3A_32, %transpose3A_33 in 1 : vector<2048x64xf32>, vector<2048x64xf32> -> vector<2048x128xf32>
    %swap3A_35 = arith.constant 2 : index
    %swap3A_36 = arith.constant 0 : index
    %swap3A_37 = arith.constant 0 : index
    %swap3A_38 = vector.load %arg9[%swap3A_35, %swap3A_36, %swap3A_37] : memref<4x2048x128xf32, #tpu.memory_space<vmem>>, vector<1x2048x128xf32>
    %swap3A_39 = vector.shape_cast %swap3A_38 : vector<1x2048x128xf32> to vector<2048x128xf32>
    %swap3A_40 = vector.shape_cast %concatenate3A_34 : vector<2048x128xf32> to vector<1x2048x128xf32>
    tpu.vector_store %arg9[%swap3A_35, %swap3A_36, %swap3A_37], %swap3A_40 {strides = array<i32>} : memref<4x2048x128xf32, #tpu.memory_space<vmem>>, vector<1x2048x128xf32>,
    %get3A_41 = arith.constant 0 : index
    %get3A_42 = arith.constant 0 : index
    %get3A_43 = vector.load %arg7[%get3A_41, %get3A_42] : memref<64x2048xf32, #tpu.memory_space<vmem>>, vector<64x2048xf32>
    %get3A_44 = arith.constant 0 : index
    %get3A_45 = arith.constant 0 : index
    %get3A_46 = vector.load %arg8[%get3A_44, %get3A_45] : memref<64x2048xf32, #tpu.memory_space<vmem>>, vector<64x2048xf32>
    %transpose3A_47 = tpu.transpose %get3A_43, [1, 0] : vector<64x2048xf32> -> vector<2048x64xf32>
    %transpose3A_48 = tpu.transpose %get3A_46, [1, 0] : vector<64x2048xf32> -> vector<2048x64xf32>
    %concatenate3A_49 = tpu.concatenate %transpose3A_47, %transpose3A_48 in 1 : vector<2048x64xf32>, vector<2048x64xf32> -> vector<2048x128xf32>
    %swap3A_50 = arith.constant 3 : index
    %swap3A_51 = arith.constant 0 : index
    %swap3A_52 = arith.constant 0 : index
    %swap3A_53 = vector.load %arg9[%swap3A_50, %swap3A_51, %swap3A_52] : memref<4x2048x128xf32, #tpu.memory_space<vmem>>, vector<1x2048x128xf32>
    %swap3A_54 = vector.shape_cast %swap3A_53 : vector<1x2048x128xf32> to vector<2048x128xf32>
    %swap3A_55 = vector.shape_cast %concatenate3A_49 : vector<2048x128xf32> to vector<1x2048x128xf32>
    tpu.vector_store %arg9[%swap3A_50, %swap3A_51, %swap3A_52], %swap3A_55 {strides = array<i32>} : memref<4x2048x128xf32, #tpu.memory_space<vmem>>, vector<1x2048x128xf32>,
    return
  }
  func.func @transform_0(%arg0: i32) -> (i32, i32) {
    %c0_i32 = arith.constant 0 : i32
    %c0_i32_0 = arith.constant 0 : i32
    return %c0_i32, %arg0 : i32, i32
  }
  func.func @transform_1(%arg0: i32) -> (i32, i32) {
    %add3A = arith.constant 25 : i32
    %add3A_0 = arith.addi %arg0, %add3A : i32
    %min3A = arith.constant 48 : i32
    %min3A_1 = arith.minsi %add3A_0, %min3A : i32
    %c0_i32 = arith.constant 0 : i32
    %c0_i32_2 = arith.constant 0 : i32
    return %c0_i32, %min3A_1 : i32, i32
  }
  func.func @transform_2(%arg0: i32) -> (i32, i32) {
    %c0_i32 = arith.constant 0 : i32
    %c0_i32_0 = arith.constant 0 : i32
    return %c0_i32, %arg0 : i32, i32
  }
  func.func @transform_3(%arg0: i32) -> (i32, i32) {
    %add3A = arith.constant 25 : i32
    %add3A_0 = arith.addi %arg0, %add3A : i32
    %min3A = arith.constant 48 : i32
    %min3A_1 = arith.minsi %add3A_0, %min3A : i32
    %c0_i32 = arith.constant 0 : i32
    %c0_i32_2 = arith.constant 0 : i32
    return %c0_i32, %min3A_1 : i32, i32
  }
  func.func @transform_4(%arg0: i32) -> (i32, i32) {
    %c0_i32 = arith.constant 0 : i32
    %c0_i32_0 = arith.constant 0 : i32
    return %c0_i32, %arg0 : i32, i32
  }
  func.func @transform_5(%arg0: i32) -> (i32, i32) {
    %add3A = arith.constant 25 : i32
    %add3A_0 = arith.addi %arg0, %add3A : i32
    %min3A = arith.constant 48 : i32
    %min3A_1 = arith.minsi %add3A_0, %min3A : i32
    %c0_i32 = arith.constant 0 : i32
    %c0_i32_2 = arith.constant 0 : i32
    return %c0_i32, %min3A_1 : i32, i32
  }
  func.func @transform_6(%arg0: i32) -> (i32, i32) {
    %c0_i32 = arith.constant 0 : i32
    %c0_i32_0 = arith.constant 0 : i32
    return %c0_i32, %arg0 : i32, i32
  }
  func.func @transform_7(%arg0: i32) -> (i32, i32) {
    %add3A = arith.constant 25 : i32
    %add3A_0 = arith.addi %arg0, %add3A : i32
    %min3A = arith.constant 48 : i32
    %min3A_1 = arith.minsi %add3A_0, %min3A : i32
    %c0_i32 = arith.constant 0 : i32
    %c0_i32_2 = arith.constant 0 : i32
    return %c0_i32, %min3A_1 : i32, i32
  }
  func.func @transform_8(%arg0: i32) -> (i32, i32, i32) {
    %c0_i32 = arith.constant 0 : i32
    %c0_i32_0 = arith.constant 0 : i32
    %c0_i32_1 = arith.constant 0 : i32
    return %c0_i32, %arg0, %c0_i32_0 : i32, i32, i32
  }
}

module attributes {stable_mosaic.version = 14 : i64} {
  func.func @body(%arg0: i32, %arg1: memref<2048x256xf32, #tpu.memory_space<vmem>>, %arg2: memref<128x128xf32, #tpu.memory_space<vmem>>, %arg3: memref<128xf32, #tpu.memory_space<vmem>>, %arg4: memref<128x64xf32, #tpu.memory_space<vmem>>, %arg5: memref<64xf32, #tpu.memory_space<vmem>>, %arg6: memref<64x32xf32, #tpu.memory_space<vmem>>, %arg7: memref<32xf32, #tpu.memory_space<vmem>>, %arg8: memref<96x1xf32, #tpu.memory_space<vmem>>, %arg9: memref<1xf32, #tpu.memory_space<vmem>>, %arg10: memref<2048xf32, #tpu.memory_space<vmem>>) attributes {dimension_semantics = [#tpu.dimension_semantics<arbitrary>], iteration_bounds = array<i64: 8>, scalar_prefetch = 0 : i64, scratch_operands = 0 : i64, tpu.core_type = #tpu.core_type<tc>, window_params = [{transform_indices = @transform_0, window_bounds = array<i64: 2048, 256>}, {pipeline_mode = #tpu.pipeline_mode<synchronous>, transform_indices = @transform_1, window_bounds = array<i64: 128, 128>}, {pipeline_mode = #tpu.pipeline_mode<synchronous>, transform_indices = @transform_2, window_bounds = array<i64: 128>}, {pipeline_mode = #tpu.pipeline_mode<synchronous>, transform_indices = @transform_3, window_bounds = array<i64: 128, 64>}, {pipeline_mode = #tpu.pipeline_mode<synchronous>, transform_indices = @transform_4, window_bounds = array<i64: 64>}, {pipeline_mode = #tpu.pipeline_mode<synchronous>, transform_indices = @transform_5, window_bounds = array<i64: 64, 32>}, {pipeline_mode = #tpu.pipeline_mode<synchronous>, transform_indices = @transform_6, window_bounds = array<i64: 32>}, {pipeline_mode = #tpu.pipeline_mode<synchronous>, transform_indices = @transform_7, window_bounds = array<i64: 96, 1>}, {pipeline_mode = #tpu.pipeline_mode<synchronous>, transform_indices = @transform_8, window_bounds = array<i64: 1>}, {transform_indices = @transform_9, window_bounds = array<i64: 2048>}]} {
    %get3A = arith.constant 0 : index
    %get3A_0 = arith.constant 0 : index
    %get3A_1 = vector.load %arg1[%get3A, %get3A_0] : memref<2048x256xf32, #tpu.memory_space<vmem>>, vector<2048x256xf32>
    %slice3A = vector.extract_strided_slice %get3A_1 {offsets = [0, 128], sizes = [2048, 128], strides = [1, 1]} : vector<2048x256xf32> to vector<2048x128xf32>
    %get3A_2 = arith.constant 0 : index
    %get3A_3 = arith.constant 0 : index
    %get3A_4 = vector.load %arg2[%get3A_2, %get3A_3] : memref<128x128xf32, #tpu.memory_space<vmem>>, vector<128x128xf32>
    %dot_general3A = arith.constant dense<0.000000e+00> : vector<2048x128xf32>
    %dot_general3A_5 = tpu.matmul %slice3A, %get3A_4, %dot_general3A {dimension_numbers = #tpu.dot_dimension_numbers<[1], [0], [0], [1], [0, 0, 1, 1], [], []>, transpose_lhs_hint = false} : vector<2048x128xf32>, vector<128x128xf32>, vector<2048x128xf32> -> vector<2048x128xf32>
    %get3A_6 = arith.constant 0 : index
    %get3A_7 = vector.load %arg3[%get3A_6] : memref<128xf32, #tpu.memory_space<vmem>>, vector<128xf32>
    %broadcast_in_dim3A = vector.shape_cast %get3A_7 : vector<128xf32> to vector<1x128xf32>
    %add3A = vector.broadcast %broadcast_in_dim3A : vector<1x128xf32> to vector<2048x128xf32>
    %add3A_8 = arith.addf %dot_general3A_5, %add3A : vector<2048x128xf32>
    %max3A = arith.constant 0.000000e+00 : f32
    %max3A_9 = vector.broadcast %max3A : f32 to vector<2048x128xf32>
    %max3A_10 = arith.maximumf %add3A_8, %max3A_9 : vector<2048x128xf32>
    %get3A_11 = arith.constant 0 : index
    %get3A_12 = arith.constant 0 : index
    %get3A_13 = vector.load %arg4[%get3A_11, %get3A_12] : memref<128x64xf32, #tpu.memory_space<vmem>>, vector<128x64xf32>
    %dot_general3A_14 = arith.constant dense<0.000000e+00> : vector<2048x64xf32>
    %dot_general3A_15 = tpu.matmul %max3A_10, %get3A_13, %dot_general3A_14 {dimension_numbers = #tpu.dot_dimension_numbers<[1], [0], [0], [1], [0, 0, 1, 1], [], []>, transpose_lhs_hint = false} : vector<2048x128xf32>, vector<128x64xf32>, vector<2048x64xf32> -> vector<2048x64xf32>
    %get3A_16 = arith.constant 0 : index
    %get3A_17 = vector.load %arg5[%get3A_16] : memref<64xf32, #tpu.memory_space<vmem>>, vector<64xf32>
    %broadcast_in_dim3A_18 = vector.shape_cast %get3A_17 : vector<64xf32> to vector<1x64xf32>
    %add3A_19 = vector.broadcast %broadcast_in_dim3A_18 : vector<1x64xf32> to vector<2048x64xf32>
    %add3A_20 = arith.addf %dot_general3A_15, %add3A_19 : vector<2048x64xf32>
    %max3A_21 = arith.constant 0.000000e+00 : f32
    %max3A_22 = vector.broadcast %max3A_21 : f32 to vector<2048x64xf32>
    %max3A_23 = arith.maximumf %add3A_20, %max3A_22 : vector<2048x64xf32>
    %get3A_24 = arith.constant 0 : index
    %get3A_25 = arith.constant 0 : index
    %get3A_26 = vector.load %arg6[%get3A_24, %get3A_25] : memref<64x32xf32, #tpu.memory_space<vmem>>, vector<64x32xf32>
    %dot_general3A_27 = arith.constant dense<0.000000e+00> : vector<2048x32xf32>
    %dot_general3A_28 = tpu.matmul %max3A_23, %get3A_26, %dot_general3A_27 {dimension_numbers = #tpu.dot_dimension_numbers<[1], [0], [0], [1], [0, 0, 1, 1], [], []>, transpose_lhs_hint = false} : vector<2048x64xf32>, vector<64x32xf32>, vector<2048x32xf32> -> vector<2048x32xf32>
    %get3A_29 = arith.constant 0 : index
    %get3A_30 = vector.load %arg7[%get3A_29] : memref<32xf32, #tpu.memory_space<vmem>>, vector<32xf32>
    %broadcast_in_dim3A_31 = vector.shape_cast %get3A_30 : vector<32xf32> to vector<1x32xf32>
    %add3A_32 = vector.broadcast %broadcast_in_dim3A_31 : vector<1x32xf32> to vector<2048x32xf32>
    %add3A_33 = arith.addf %dot_general3A_28, %add3A_32 : vector<2048x32xf32>
    %max3A_34 = arith.constant 0.000000e+00 : f32
    %max3A_35 = vector.broadcast %max3A_34 : f32 to vector<2048x32xf32>
    %max3A_36 = arith.maximumf %add3A_33, %max3A_35 : vector<2048x32xf32>
    %slice3A_37 = vector.extract_strided_slice %get3A_1 {offsets = [0, 0], sizes = [2048, 64], strides = [1, 1]} : vector<2048x256xf32> to vector<2048x64xf32>
    %slice3A_38 = vector.extract_strided_slice %get3A_1 {offsets = [0, 64], sizes = [2048, 64], strides = [1, 1]} : vector<2048x256xf32> to vector<2048x64xf32>
    %mul3A = arith.mulf %slice3A_37, %slice3A_38 : vector<2048x64xf32>
    %get3A_39 = arith.constant 0 : index
    %get3A_40 = arith.constant 0 : index
    %get3A_41 = vector.load %arg8[%get3A_39, %get3A_40] : memref<96x1xf32, #tpu.memory_space<vmem>>, vector<64x1xf32>
    %dot_general3A_42 = arith.constant dense<0.000000e+00> : vector<2048x1xf32>
    %dot_general3A_43 = tpu.matmul %mul3A, %get3A_41, %dot_general3A_42 {dimension_numbers = #tpu.dot_dimension_numbers<[1], [0], [0], [1], [0, 0, 1, 1], [], []>, transpose_lhs_hint = false} : vector<2048x64xf32>, vector<64x1xf32>, vector<2048x1xf32> -> vector<2048x1xf32>
    %get3A_44 = arith.constant 64 : index
    %get3A_45 = arith.constant 0 : index
    %get3A_46 = vector.load %arg8[%get3A_44, %get3A_45] : memref<96x1xf32, #tpu.memory_space<vmem>>, vector<32x1xf32>
    %dot_general3A_47 = arith.constant dense<0.000000e+00> : vector<2048x1xf32>
    %dot_general3A_48 = tpu.matmul %max3A_36, %get3A_46, %dot_general3A_47 {dimension_numbers = #tpu.dot_dimension_numbers<[1], [0], [0], [1], [0, 0, 1, 1], [], []>, transpose_lhs_hint = false} : vector<2048x32xf32>, vector<32x1xf32>, vector<2048x1xf32> -> vector<2048x1xf32>
    %add3A_49 = arith.addf %dot_general3A_43, %dot_general3A_48 : vector<2048x1xf32>
    %get3A_50 = arith.constant 0 : index
    %get3A_51 = vector.load %arg9[%get3A_50] : memref<1xf32, #tpu.memory_space<vmem>>, vector<1xf32>
    %broadcast_in_dim3A_52 = vector.shape_cast %get3A_51 : vector<1xf32> to vector<1x1xf32>
    %add3A_53 = vector.broadcast %broadcast_in_dim3A_52 : vector<1x1xf32> to vector<2048x1xf32>
    %add3A_54 = arith.addf %add3A_49, %add3A_53 : vector<2048x1xf32>
    %squeeze3A = vector.shape_cast %add3A_54 : vector<2048x1xf32> to vector<2048xf32>
    %logistic3A = arith.negf %squeeze3A : vector<2048xf32>
    %logistic3A_55 = math.exp %logistic3A : vector<2048xf32>
    %logistic3A_56 = arith.constant 1.000000e+00 : f32
    %logistic3A_57 = vector.broadcast %logistic3A_56 : f32 to vector<2048xf32>
    %logistic3A_58 = arith.addf %logistic3A_57, %logistic3A_55 : vector<2048xf32>
    %logistic3A_59 = arith.divf %logistic3A_57, %logistic3A_58 : vector<2048xf32>
    %swap3A = arith.constant 0 : index
    %swap3A_60 = vector.load %arg10[%swap3A] : memref<2048xf32, #tpu.memory_space<vmem>>, vector<2048xf32>
    tpu.vector_store %arg10[%swap3A], %logistic3A_59 {strides = array<i32>} : memref<2048xf32, #tpu.memory_space<vmem>>, vector<2048xf32>,
    return
  }
  func.func @transform_0(%arg0: i32) -> (i32, i32) {
    %c0_i32 = arith.constant 0 : i32
    %c0_i32_0 = arith.constant 0 : i32
    return %arg0, %c0_i32 : i32, i32
  }
  func.func @transform_1(%arg0: i32) -> (i32, i32) {
    %c0_i32 = arith.constant 0 : i32
    %c0_i32_0 = arith.constant 0 : i32
    %c0_i32_1 = arith.constant 0 : i32
    return %c0_i32, %c0_i32_0 : i32, i32
  }
  func.func @transform_2(%arg0: i32) -> i32 {
    %c0_i32 = arith.constant 0 : i32
    %c0_i32_0 = arith.constant 0 : i32
    return %c0_i32 : i32
  }
  func.func @transform_3(%arg0: i32) -> (i32, i32) {
    %c0_i32 = arith.constant 0 : i32
    %c0_i32_0 = arith.constant 0 : i32
    %c0_i32_1 = arith.constant 0 : i32
    return %c0_i32, %c0_i32_0 : i32, i32
  }
  func.func @transform_4(%arg0: i32) -> i32 {
    %c0_i32 = arith.constant 0 : i32
    %c0_i32_0 = arith.constant 0 : i32
    return %c0_i32 : i32
  }
  func.func @transform_5(%arg0: i32) -> (i32, i32) {
    %c0_i32 = arith.constant 0 : i32
    %c0_i32_0 = arith.constant 0 : i32
    %c0_i32_1 = arith.constant 0 : i32
    return %c0_i32, %c0_i32_0 : i32, i32
  }
  func.func @transform_6(%arg0: i32) -> i32 {
    %c0_i32 = arith.constant 0 : i32
    %c0_i32_0 = arith.constant 0 : i32
    return %c0_i32 : i32
  }
  func.func @transform_7(%arg0: i32) -> (i32, i32) {
    %c0_i32 = arith.constant 0 : i32
    %c0_i32_0 = arith.constant 0 : i32
    %c0_i32_1 = arith.constant 0 : i32
    return %c0_i32, %c0_i32_0 : i32, i32
  }
  func.func @transform_8(%arg0: i32) -> i32 {
    %c0_i32 = arith.constant 0 : i32
    %c0_i32_0 = arith.constant 0 : i32
    return %c0_i32 : i32
  }
  func.func @transform_9(%arg0: i32) -> i32 {
    %c0_i32 = arith.constant 0 : i32
    return %arg0 : i32
  }
}

</mosaic_0001>

<sc_bundles>
// kernel: kernel.5.cloned.1.call-start
scs
__scs_entry_jumppad:
0x0: {  	(pc) =	sbr.rel $0x88, $3  }
0x1: {  	(tag) =	ssettag $0x0;
	lr =	simm.s32 $0x1  }
0x2: {  	[smem:$0x3F93] =	sst lr;
	_ =	strace $0xD0000000  }
0x3: {  	_ = 	snop  }
0x4: {  	_ = 	snop  }
0x5: {  	_ = 	snop  }
0x6: {  	_ = 	snop  }
0x7: {  	_ = 	snop  }
__scs_overlays_trampoline_lowered:
0x8: {  	[smem:$0x3FA2] =	sst s0  }
0x9: {  	[smem:$0x3FA3] =	sst s1  }
0xa: {  	[smem:$0x3FA4] =	sst s2  }
0xb: {  	[smem:$0x3FA5] =	sst s3  }
0xc: {  	[smem:$0x3FA6] =	sst s4  }
0xd: {  	[smem:$0x3FA7] =	sst s5  }
0xe: {  	[smem:$0x3FA8] =	sst s6  }
0xf: {  	[smem:$0x3FA9] =	sst s7  }
0x10: {  	[smem:$0x3FAA] =	sst s8  }
0x11: {  	[smem:$0x3FAB] =	sst s9;
	s0 =	simm.s32 @!p0 $0x0  }
0x12: {  	s1 =	sld [smem:$0x3F91];
	s0 =	simm.s32 @p0 $0x1  }
0x13: {  	[smem:$0x3FAC] =	sst s0;
	s0 =	simm.s32 @!p1 $0x0  }
0x14: {  	s2 =	sld [smem:$0x3F90];
	s0 =	simm.s32 @p1 $0x1  }
0x15: {  	[smem:$0x3FAD] =	sst s0;
	s0 =	simm.s32 @!p2 $0x0  }
0x16: {  	s3 =	sld [smem:$0x3FDB];
	s0 =	simm.s32 @p2 $0x1  }
0x17: {  	s4 =	simm.s32 $0x1BF5;
	[smem:$0x3FAF] =	sst s0  }
0x18: {  	s0 =	sld [smem:$0x3F92];
	_ =	swait.ge [sflag:s4], $0x0  }
0x19: {  	s7 =	sld [smem:$0x3F93]  }
0x1a: {  	s8 =	sadd.s32 $0xFFFFE003, lr  }
0x1b: {  	s9 =	sadd.s32 $0xFFFFFEF7, lr;
	s5 =	simm.s32 $0xFFFFFFFF;
	p2 =	slt.u32 s8, $0xFFFFF086  }
0x1c: {  	p1 =	slt.u32 s9, $0xF7A;
	s5 =	simm.s32 @!p2 $0x0  }
0x1d: {  	s5 =	simm.s32 @p1 $0x1;
	p0 =	seq.s32 s7, s2  }
0x1e: {  	s7 =	smul.u32 @!p0 $0xF7A, s2;
	p2 =	seq.s32 @!p0 s5, $0x0  }
0x1f: {  	s9 =	smul.u32 $0xF7A, s1;
	s8 =	simm.s32 @!p0 $0x1BF5;
	p2 =	por !p2, p0  }
0x20: {  	[sflag:s8] =	ssyncset.s32 @!p0 $0xFFFFF086;
	s6 =	sadd.s32 @!p0 s3, s7;
	s7 =	simm.s32 @!p0 $0x108  }
0x21: {  	s3 =	sadd.s32 s3, s9;
	s6 =	sadd.s32 @!p0 $0x88, s6;
	s7 =	simm.s32 @p2 $0x1082  }
0x22: {  	[simem:s7], [sflag:s8] =	dma.local @!p0 [hbm:s6], $0xF7A  }
0x23: {  	s9 =	sor.u32 $0xD0000000, s2;
	s6 =	simm.s32 $0x108;
	_ =	swait.ge @!p0 [sflag:s8], $0x0  }
0x24: {  	s3 =	sadd.s32 $0x88, s3;
	s6 =	simm.s32 @!p1 $0x1082;
	[sflag:s4] =	ssyncset.s32 $0xFFFFF086  }
0x25: {  	[simem:s6], [sflag:s4] =	dma.local [hbm:s3], $0xF7A  }
0x26: {  	[smem:$0x3F93] =	sst s1;
	(tag) =	ssettag s2;
	_ =	strace s9  }
0x27: {  	s1 =	sld [smem:$0x3FA3]  }
0x28: {  	s2 =	sld [smem:$0x3FA4]  }
0x29: {  	s4 =	sld [smem:$0x3FA6]  }
0x2a: {  	p0 =	seq.s32 s5, $0x0;
	s5 =	sld [smem:$0x3FA7]  }
0x2b: {  	s6 =	sld [smem:$0x3FA8]  }
0x2c: {  	s7 =	sld [smem:$0x3FA9]  }
0x2d: {  	s3 =	simm.s32 $0x108;
	s8 =	sld [smem:$0x3FAA]  }
0x2e: {  	s3 =	simm.s32 @!p0 $0x1082;
	s9 =	sld [smem:$0x3FAB]  }
0x2f: {  	lr =	sadd.s32 s0, s3;
	s0 =	sld [smem:$0x3FA2]  }
0x30: {  	s3 =	sld [smem:$0x3FA5]  }
0x31: {  	[smem:$0x3FAE] =	sst s10  }
0x32: {  	s10 =	sld [smem:$0x3FAC];
	_ =	sdelay $0x3  }
0x33: {  	p0 =	seq.s32 s10, $0x1;
	s10 =	sld [smem:$0x3FAE];
	_ =	sdelay $0x3  }
0x34: {  	[smem:$0x3FAE] =	sst s10  }
0x35: {  	s10 =	sld [smem:$0x3FAD];
	_ =	sdelay $0x3  }
0x36: {  	p1 =	seq.s32 s10, $0x1;
	s10 =	sld [smem:$0x3FAE];
	_ =	sdelay $0x3  }
0x37: {  	[smem:$0x3FAE] =	sst s10  }
0x38: {  	s10 =	sld [smem:$0x3FAF]  }
0x39: {  	_ = 	snop;
	(pc) =	sbr.ind lr, $3  }
0x3a: {  	_ = 	snop  }
0x3b: {  	_ = 	snop  }
0x3c: {  	p2 =	seq.s32 s10, $0x1;
	s10 =	sld [smem:$0x3FAE]  }
0x3d: {  	_ =	shalt  }
0x3e: {  	_ =	shalt  }
0x3f: {  	_ =	shalt  }
0x40: {  	_ =	shalt  }
0x41: {  	_ =	shalt  }
0x42: {  	_ =	shalt  }
0x43: {  	_ =	shalt  }
0x44: {  	_ =	shalt  }
0x45: {  	_ =	shalt  }
0x46: {  	_ =	shalt  }
0x47: {  	_ =	shalt  }
0x48: {  	_ =	shalt  }
0x49: {  	_ =	shalt  }
0x4a: {  	_ =	shalt  }
0x4b: {  	_ =	shalt  }
0x4c: {  	_ =	shalt  }
0x4d: {  	_ =	shalt  }
0x4e: {  	_ =	shalt  }
0x4f: {  	_ =	shalt  }
0x50: {  	_ =	shalt  }
0x51: {  	_ =	shalt  }
0x52: {  	_ =	shalt  }
0x53: {  	_ =	shalt  }
0x54: {  	_ =	shalt  }
0x55: {  	_ =	shalt  }
0x56: {  	_ =	shalt  }
0x57: {  	_ =	shalt  }
0x58: {  	_ =	shalt  }
0x59: {  	_ =	shalt  }
0x5a: {  	_ =	shalt  }
0x5b: {  	_ =	shalt  }
0x5c: {  	_ =	shalt  }
0x5d: {  	_ =	shalt  }
0x5e: {  	_ =	shalt  }
0x5f: {  	_ =	shalt  }
0x60: {  	_ =	shalt  }
0x61: {  	_ =	shalt  }
0x62: {  	_ =	shalt  }
0x63: {  	_ =	shalt  }
0x64: {  	_ =	shalt  }
0x65: {  	_ =	shalt  }
0x66: {  	_ =	shalt  }
0x67: {  	_ =	shalt  }
0x68: {  	_ =	shalt  }
0x69: {  	_ =	shalt  }
0x6a: {  	_ =	shalt  }
0x6b: {  	_ =	shalt  }
0x6c: {  	_ =	shalt  }
0x6d: {  	_ =	shalt  }
0x6e: {  	_ =	shalt  }
0x6f: {  	_ =	shalt  }
0x70: {  	_ =	shalt  }
0x71: {  	_ =	shalt  }
0x72: {  	_ =	shalt  }
0x73: {  	_ =	shalt  }
0x74: {  	_ =	shalt  }
0x75: {  	_ =	shalt  }
0x76: {  	_ =	shalt  }
0x77: {  	_ =	shalt  }
0x78: {  	_ =	shalt  }
0x79: {  	_ =	shalt  }
0x7a: {  	_ =	shalt  }
0x7b: {  	_ =	shalt  }
0x7c: {  	_ =	shalt  }
0x7d: {  	_ =	shalt  }
0x7e: {  	_ =	shalt  }
0x7f: {  	_ =	shalt  }
0x80: {  	_ =	shalt  }
0x81: {  	_ =	shalt  }
0x82: {  	_ =	shalt  }
0x83: {  	_ =	shalt  }
0x84: {  	_ =	shalt  }
0x85: {  	_ =	shalt  }
0x86: {  	_ =	shalt  }
0x87: {  	_ =	shalt  }
.Lfunc_end0:
.L_simem_size_0:
called_computation_lowered:
.L_overlay_start_0:
0x88: {  	s2 =	sld [smem:$0x3FD9]  }
0x89: {  	s3 =	sld [smem:$0x3FFE];
	_ =	sdelay $0x1  }
0x8a: {  	s1 =	srdreg.scid  }
0x8b: {  	s0 =	sand.u32 $0x1, s1  }
0x8c: {  	s16 =	sshll.u32 s0, $0xA;
	s2 =	sadd.s32 s3, s2  }
0x8d: {  	s2 =	sadd.s32 s2, s16  }
0x8e: {  	[smem:$0x3FBA] =	sst s2  }
0x8f: {  	_ = 	snop  }
0x90: {  	(tm) =	ssettm $0x1  }
0x91: {  	s17 =	sld [smem:$0x3FFB];
	_ =	sdelay $0x3  }
0x92: {  	_ =	strace s17  }
0x93: {  	s2 =	sld [smem:$0x3FFC];
	_ =	sdelay $0x3  }
0x94: {  	_ =	strace s2  }
0x95: {  	s2 =	sld [smem:$0x3FFD];
	_ =	sdelay $0x3  }
0x96: {  	_ =	strace s2  }
0x97: {  	_ =	strace $0x8FFFFFFF  }
0x98: {  	s18 =	sld [smem:$0x3FDB];
	_ =	sdelay $0x1  }
0x99: {  	s19 =	simm.s32 $_scs_section_size  }
0x9a: {  	s4 =	simm.s32 $_size__tile_overlayer_lowered;
	s5 =	simm.s32 $_tile_overlayer_lowered  }
0x9b: {  	s22 =	simm.s32 $0x1BFF;
	s21 =	sshll.u32 s5, $0x1;
	s2 =	sadd.s32 s19, s18  }
0x9c: {  	s6 =	simm.s32 $0x0;
	s20 =	sshll.u32 s4, $0x1;
	s4 =	sadd.s32 s21, s2  }
0x9d: {  	[timem:s6], [sflag:s22] =	dma.local [hbm:s4], s20  }
0x9e: {  	_ =	swait.ge [sflag:s22], s20  }
0x9f: {  	s3 =	ssub.s32 $0x0, s20;
	[sflag:s22] =	ssyncset.done $0x0  }
0xa0: {  	[sflag:s22] =	ssyncadd.s32 s3;
	_ =	sdelay $0x1  }
0xa1: {  	s23 =	simm.s32 $0x1B8B  }
0xa2: {  	_ =	swait.ge [sflag:s23], $0x1  }
0xa3: {  	[sflag:s23] =	ssyncset.done $0x0  }
0xa4: {  	s25 =	simm.s32 $0x1B8E;
	s24 =	sld [smem:$0x3FFE];
	[sflag:s23] =	ssyncadd.s32 $0xFFFFFFFF  }
0xa5: {  	s26 =	simm.s32 $execute0_lowered;
	[smem:$0x3FD2] =	sst s25  }
0xa6: {  	s4 =	sshll.u32 s26, $0x1;
	_ =	strace $0x80000046;
	[dreg:$0x1] =	wrdreg $0xFFFFFFFF  }
0xa7: {  	s28 =	simm.s32 $_size_execute0_lowered;
	s2 =	sadd.s32 s2, s4;
	[dreg:$0x0] =	wrdreg $0x0  }
0xa8: {  	s4 =	sshll.u32 s28, $0x1;
	[dreg:$0x2] =	wrdreg s2  }
0xa9: {  	[dreg:$0x3] =	wrdreg s4  }
0xaa: {  	[dreg:$0x4] =	wrdreg $0xC0  }
0xab: {  	_ =	task [dreg:s6], $0x5FFFF  }
0xac: {  	[dreg:$0x1] =	wrdreg $0xFFFFFFFF  }
0xad: {  	[dreg:$0x0] =	wrdreg $0x60  }
0xae: {  	[dreg:$0x2] =	wrdreg s24  }
0xaf: {  	[dreg:$0x3] =	wrdreg $0x9  }
0xb0: {  	_ =	task.clear_ibuf [dreg:s6], $0x4FFFF;
	_ =	strace $0x90000046  }
0xb1: {  	s29 =	simm.s32 $0x9;
	_ =	strace $0x80000048  }
0xb2: {  	_ =	swait.ge [sflag:s29], $0x1  }
0xb3: {  	[sflag:s29] =	ssyncadd.s32 $0xFFFFFFFF  }
0xb4: {  	_ =	strace $0x90000048  }
0xb5: {  	_ =	sfence  }
0xb6: {  	s30 =	sld [smem:$0x0];
	_ =	sdelay $0x2  }
0xb7: {  	s31 =	sshll.u32 s1, $0xD;
	s1 =	sshrl.u32 s1, $0x2  }
0xb8: {  	s3 =	sand.u32 $0x4000, s31;
	s1 =	sadd.s32 s1, s30  }
0xb9: {  	s0 =	sor.u32 s3, s0;
	s1 =	sshll.u32 s1, $0x11  }
0xba: {  	s0 =	sor.u32 s1, s0  }
0xbb: {  	s0 =	sadd.s32 $0x8F2B, s0  }
0xbc: {  	[sflag:s0] =	ssyncadd.remote.s32 $0x1  }
0xbd: {  	_ =	sfence.sel $0xFFFF  }
0xbe: {  	[dreg:$0x0] =	wrdreg $0xFFFFFFFF;
	(pc) =	sbr.abs _section_cstart, $3  }
0xbf: {  	[dreg:$0x1] =	wrdreg $0xFFFFFFFF  }
0xc0: {  	_ =	task.clear_ibuf [dreg:s6], $0x2FFFF;
	_ =	strace $0x9FFFFFFF  }
0xc1: {  	(tm) =	ssettm $0x7FFFFFFF  }
tec
execute0_lowered:
.L_overlay_start_1:
0x0: {  	(tag) =	ssettag $0x1  }
0x1: {  	s0 =	srdreg.scid  }
0x2: {  	s2 =	stileid.u32;
	s1 =	rddreg [dreg:$0x0];
	s9 =	simm.s32 $0x80  }
0x3: {  	s7 =	simm.s32 $0x800;
	s14 =	simm.s32 $0x2800;
	s15 =	simm.s32 $0x4800  }
0x4: {  	s16 =	simm.s32 $0x6800;
	s28 =	simm.s32 $0x200;
	s5 =	simm.s32 $0x8800  }
0x5: {  	s29 =	simm.s32 $0x280;
	s11 =	simm.s32 $0xA800;
	s30 =	simm.s32 $0x300  }
0x6: {  	s12 =	simm.s32 $0xC800;
	s31 =	simm.s32 $0x380;
	s13 =	simm.s32 $0xE800  }
0x7: {  	s10 =	simm.s32 $0x1;
	s21 =	simm.s32 $0x400;
	p0 =	por $0x0, $0x0  }
0x8: {  	s8 =	simm.s32 $0x2;
	s17 =	simm.s32 $0x600;
	s18 =	simm.s32 $0x680  }
0x9: {  	s19 =	simm.s32 $0x700;
	s20 =	simm.s32 $0x780;
	s0 =	sand.u32 $0x1, s0  }
0xa: {  	s3 =	sshll.u32 s2, $0x1;
	s2 =	simm.s32 $0x0;
	s6 =	sadd.s32 $0x3600, s1  }
0xb: {  	s3 =	sor.u32 s0, s3;
	[smem:$0x7FF] =	sst s2;
	s0 =	ssub.s32 $0x2, s0  }
0xc: {  	s4 =	sshll.u32 s3, $0x8;
	_ =	strace $0x80000047;
	s24 =	sshrl.u32 s0, $0x1  }
0xd: {  	s3 =	sshll.u32 s3, $0xE;
	s4 =	sadd.s32 s4, s1;
	s0 =	ssub.s32 s0, s24  }
0xe: {  	s1 =	sadd.s32 s3, s1;
	s22 =	sadd.s32 $0x1600, s4;
	s0 =	smax.u32 s0, $0x1  }
0xf: {  	s23 =	sadd.s32 $0x323600, s1;
	[dreg:$0x2] =	wrdreg s22;
	p1 =	sne.s32 s0, $0x1  }
.Ltmp0:
0x10: {  	s25 =	sadd.s32 $0x324600, s1;
	[dreg:$0x3] =	wrdreg s23;
	(pc) =	sbr.rel @!p1 .LBB2_3-.Ltmp0, $4  }
0x11: {  	s3 =	simm.s32 $0x3;
	s26 =	sadd.s32 $0x325600, s1;
	[dreg:$0x4] =	wrdreg s25  }
0x12: {  	s24 =	simm.s32 $0x580;
	s4 =	sadd.s32 $0x326600, s1;
	[dreg:$0x5] =	wrdreg s26  }
0x13: {  	s25 =	simm.s32 $0x100;
	s26 =	simm.s32 $0x180;
	s22 =	simm.s32 $0x480  }
0x14: {  	s23 =	simm.s32 $0x500;
	s1 =	sadd.s32 $0xFFFFFFFF, s0;
	s0 =	rddreg [dreg:$0x2]  }
0x15: {  	[tilespmem:s2], [sflag:$0x3] =	stream.linear.gather [hbm4b:s0+s2], $0x800, $0x38;
	[tilespmem:$0x10800] =	vst v63  }
0x16: {  	_ =	swait.ge [sflag:s3], $0x800  }
0x17: {  	[sflag:s3] =	ssyncset.done $0x0  }
0x18: {  	[sflag:s3] =	ssyncadd.s32 $0xFFFFF800  }
0x19: {  	[tilespmem:s7], [sflag:$0x1] =	stream.indirect.gather [hbm4b:s6+s9], $0x40, s2, s9, $0xb8;
	[tilespmem:$0x10800] =	vst v63  }
0x1a: {  	_ = 	snop  }
0x1b: {  	[tilespmem:s14], [sflag:$0x1] =	stream.indirect.gather [hbm4b:s6+s9], $0x40, s9, s9, $0xb8;
	[tilespmem:$0x10800] =	vst v63  }
0x1c: {  	_ = 	snop  }
0x1d: {  	[tilespmem:s15], [sflag:$0x1] =	stream.indirect.gather [hbm4b:s6+s9], $0x40, s25, s9, $0xb8;
	[tilespmem:$0x10800] =	vst v63  }
0x1e: {  	_ = 	snop  }
0x1f: {  	[tilespmem:s16], [sflag:$0x1] =	stream.indirect.gather [hbm4b:s6+s9], $0x40, s26, s9, $0xb8;
	[tilespmem:$0x10800] =	vst v63  }
0x20: {  	_ = 	snop  }
0x21: {  	[tilespmem:s5], [sflag:$0x2] =	stream.indirect.gather [hbm4b:s6+s9], $0x40, s28, s9, $0xb8;
	[tilespmem:$0x10800] =	vst v63  }
0x22: {  	_ = 	snop  }
0x23: {  	[tilespmem:s11], [sflag:$0x2] =	stream.indirect.gather [hbm4b:s6+s9], $0x40, s29, s9, $0xb8;
	[tilespmem:$0x10800] =	vst v63  }
0x24: {  	_ = 	snop  }
0x25: {  	[tilespmem:s12], [sflag:$0x2] =	stream.indirect.gather [hbm4b:s6+s9], $0x40, s30, s9, $0xb8;
	[tilespmem:$0x10800] =	vst v63  }
0x26: {  	_ = 	snop  }
0x27: {  	[tilespmem:s13], [sflag:$0x2] =	stream.indirect.gather [hbm4b:s6+s9], $0x40, s31, s9, $0xb8;
	[tilespmem:$0x10800] =	vst v63  }
0x28: {  	_ =	swait.ge [sflag:s10], $0x2000  }
0x29: {  	[sflag:s10] =	ssyncset.done $0x0  }
0x2a: {  	[sflag:s10] =	ssyncadd.s32 $0xFFFFE000  }
0x2b: {  	_ =	swait.ge [sflag:s10], $0x2000  }
0x2c: {  	[sflag:s10] =	ssyncset.done $0x0  }
0x2d: {  	[sflag:s10] =	ssyncadd.s32 $0xFFFFE000  }
0x2e: {  	_ =	swait.ge [sflag:s10], $0x2000  }
0x2f: {  	[sflag:s10] =	ssyncset.done $0x0  }
0x30: {  	[sflag:s10] =	ssyncadd.s32 $0xFFFFE000  }
0x31: {  	_ =	swait.ge [sflag:s10], $0x2000  }
0x32: {  	[sflag:s10] =	ssyncset.done $0x0  }
0x33: {  	s0 =	rddreg [dreg:$0x3];
	[sflag:s10] =	ssyncadd.s32 $0xFFFFE000  }
0x34: {  	[hbm4b:s0+s2] =	stream.linear.scatter [tilespmem:s7], [sflag:$0x3], $0x8000, $0x38;
	[tilespmem:$0x10800] =	vst v63  }
0x35: {  	_ =	swait.ge [sflag:s3], $0x8000  }
0x36: {  	[sflag:s3] =	ssyncset.done $0x0  }
0x37: {  	[sflag:s3] =	ssyncadd.s32 $0xFFFF8000  }
0x38: {  	[tilespmem:s7], [sflag:$0x1] =	stream.indirect.gather [hbm4b:s6+s9], $0x40, s21, s9, $0xb8;
	[tilespmem:$0x10800] =	vst v63  }
0x39: {  	_ = 	snop  }
0x3a: {  	[tilespmem:s14], [sflag:$0x1] =	stream.indirect.gather [hbm4b:s6+s9], $0x40, s22, s9, $0xb8;
	[tilespmem:$0x10800] =	vst v63  }
0x3b: {  	_ = 	snop  }
0x3c: {  	[tilespmem:s15], [sflag:$0x1] =	stream.indirect.gather [hbm4b:s6+s9], $0x40, s23, s9, $0xb8;
	[tilespmem:$0x10800] =	vst v63  }
0x3d: {  	_ = 	snop  }
0x3e: {  	[tilespmem:s16], [sflag:$0x1] =	stream.indirect.gather [hbm4b:s6+s9], $0x40, s24, s9, $0xb8;
	[tilespmem:$0x10800] =	vst v63  }
0x3f: {  	_ =	swait.ge [sflag:s8], $0x2000  }
0x40: {  	[sflag:s8] =	ssyncset.done $0x0  }
0x41: {  	[sflag:s8] =	ssyncadd.s32 $0xFFFFE000  }
0x42: {  	_ =	swait.ge [sflag:s8], $0x2000  }
0x43: {  	[sflag:s8] =	ssyncset.done $0x0  }
0x44: {  	[sflag:s8] =	ssyncadd.s32 $0xFFFFE000  }
0x45: {  	_ =	swait.ge [sflag:s8], $0x2000  }
0x46: {  	[sflag:s8] =	ssyncset.done $0x0  }
0x47: {  	[sflag:s8] =	ssyncadd.s32 $0xFFFFE000  }
0x48: {  	_ =	swait.ge [sflag:s8], $0x2000  }
0x49: {  	[sflag:s8] =	ssyncset.done $0x0  }
0x4a: {  	s0 =	rddreg [dreg:$0x4];
	[sflag:s8] =	ssyncadd.s32 $0xFFFFE000  }
0x4b: {  	[hbm4b:s0+s2] =	stream.linear.scatter [tilespmem:s5], [sflag:$0x3], $0x8000, $0x38;
	[tilespmem:$0x10800] =	vst v63  }
0x4c: {  	_ =	swait.ge [sflag:s3], $0x8000  }
0x4d: {  	[sflag:s3] =	ssyncset.done $0x0  }
0x4e: {  	[sflag:s3] =	ssyncadd.s32 $0xFFFF8000  }
0x4f: {  	[tilespmem:s5], [sflag:$0x2] =	stream.indirect.gather [hbm4b:s6+s9], $0x40, s17, s9, $0xb8;
	[tilespmem:$0x10800] =	vst v63  }
0x50: {  	_ = 	snop  }
0x51: {  	[tilespmem:s11], [sflag:$0x2] =	stream.indirect.gather [hbm4b:s6+s9], $0x40, s18, s9, $0xb8;
	[tilespmem:$0x10800] =	vst v63  }
0x52: {  	_ = 	snop  }
0x53: {  	[tilespmem:s12], [sflag:$0x2] =	stream.indirect.gather [hbm4b:s6+s9], $0x40, s19, s9, $0xb8;
	[tilespmem:$0x10800] =	vst v63  }
0x54: {  	_ = 	snop  }
0x55: {  	[tilespmem:s13], [sflag:$0x2] =	stream.indirect.gather [hbm4b:s6+s9], $0x40, s20, s9, $0xb8;
	[tilespmem:$0x10800] =	vst v63  }
0x56: {  	_ =	swait.ge [sflag:s10], $0x2000  }
0x57: {  	[sflag:s10] =	ssyncset.done $0x0  }
0x58: {  	[sflag:s10] =	ssyncadd.s32 $0xFFFFE000  }
0x59: {  	_ =	swait.ge [sflag:s10], $0x2000  }
0x5a: {  	[sflag:s10] =	ssyncset.done $0x0  }
0x5b: {  	[sflag:s10] =	ssyncadd.s32 $0xFFFFE000  }
0x5c: {  	_ =	swait.ge [sflag:s10], $0x2000  }
0x5d: {  	[sflag:s10] =	ssyncset.done $0x0  }
0x5e: {  	[sflag:s10] =	ssyncadd.s32 $0xFFFFE000  }
0x5f: {  	_ =	swait.ge [sflag:s10], $0x2000  }
0x60: {  	[sflag:s10] =	ssyncset.done $0x0  }
0x61: {  	s0 =	rddreg [dreg:$0x5];
	[sflag:s10] =	ssyncadd.s32 $0xFFFFE000  }
0x62: {  	[hbm4b:s0+s2] =	stream.linear.scatter [tilespmem:s7], [sflag:$0x3], $0x8000, $0x38;
	[tilespmem:$0x10800] =	vst v63  }
0x63: {  	_ =	swait.ge [sflag:s3], $0x8000  }
0x64: {  	[sflag:s3] =	ssyncset.done $0x0  }
0x65: {  	[sflag:s3] =	ssyncadd.s32 $0xFFFF8000  }
0x66: {  	_ =	swait.ge [sflag:s8], $0x2000  }
0x67: {  	[sflag:s8] =	ssyncset.done $0x0  }
0x68: {  	[sflag:s8] =	ssyncadd.s32 $0xFFFFE000  }
0x69: {  	_ =	swait.ge [sflag:s8], $0x2000  }
0x6a: {  	[sflag:s8] =	ssyncset.done $0x0  }
0x6b: {  	[sflag:s8] =	ssyncadd.s32 $0xFFFFE000  }
0x6c: {  	_ =	swait.ge [sflag:s8], $0x2000  }
0x6d: {  	[sflag:s8] =	ssyncset.done $0x0  }
0x6e: {  	[sflag:s8] =	ssyncadd.s32 $0xFFFFE000  }
0x6f: {  	p1 =	sne.s32 s1, $0x1;
	_ =	swait.ge [sflag:s8], $0x2000  }
.Ltmp1:
0x70: {  	[sflag:s8] =	ssyncset.done $0x0;
	(pc) =	sbr.rel @!p1 .LBB2_3-.Ltmp1, $4  }
0x71: {  	[sflag:s8] =	ssyncadd.s32 $0xFFFFE000  }
0x72: {  	[hbm4b:s4+s2] =	stream.linear.scatter [tilespmem:s5], [sflag:$0x3], $0x8000, $0x38;
	[tilespmem:$0x10800] =	vst v63  }
0x73: {  	s1 =	sadd.s32 $0xFFFFFFFF, s1;
	_ =	swait.ge [sflag:s3], $0x8000  }
0x74: {  	p0 =	por $0x1, $0x1;
	s0 =	rddreg [dreg:$0x2];
	[sflag:s3] =	ssyncset.done $0x0  }
.LBB2_2:
0x75: {  	[sflag:s3] =	ssyncadd.s32 $0xFFFF8000  }
0x76: {  	[tilespmem:s2], [sflag:$0x3] =	stream.linear.gather [hbm4b:s0+s2], $0x800, $0x38;
	[tilespmem:$0x10800] =	vst v63  }
0x77: {  	_ =	swait.ge [sflag:s3], $0x800  }
0x78: {  	[sflag:s3] =	ssyncset.done $0x0  }
0x79: {  	[sflag:s3] =	ssyncadd.s32 $0xFFFFF800  }
0x7a: {  	[tilespmem:s7], [sflag:$0x1] =	stream.indirect.gather [hbm4b:s6+s9], $0x40, s2, s9, $0xb8;
	[tilespmem:$0x10800] =	vst v63  }
0x7b: {  	_ = 	snop  }
0x7c: {  	[tilespmem:s14], [sflag:$0x1] =	stream.indirect.gather [hbm4b:s6+s9], $0x40, s9, s9, $0xb8;
	[tilespmem:$0x10800] =	vst v63  }
0x7d: {  	_ = 	snop  }
0x7e: {  	[tilespmem:s15], [sflag:$0x1] =	stream.indirect.gather [hbm4b:s6+s9], $0x40, s25, s9, $0xb8;
	[tilespmem:$0x10800] =	vst v63  }
0x7f: {  	_ = 	snop  }
0x80: {  	[tilespmem:s16], [sflag:$0x1] =	stream.indirect.gather [hbm4b:s6+s9], $0x40, s26, s9, $0xb8;
	[tilespmem:$0x10800] =	vst v63  }
0x81: {  	_ = 	snop  }
0x82: {  	[tilespmem:s5], [sflag:$0x2] =	stream.indirect.gather [hbm4b:s6+s9], $0x40, s28, s9, $0xb8;
	[tilespmem:$0x10800] =	vst v63  }
0x83: {  	_ = 	snop  }
0x84: {  	[tilespmem:s11], [sflag:$0x2] =	stream.indirect.gather [hbm4b:s6+s9], $0x40, s29, s9, $0xb8;
	[tilespmem:$0x10800] =	vst v63  }
0x85: {  	_ = 	snop  }
0x86: {  	[tilespmem:s12], [sflag:$0x2] =	stream.indirect.gather [hbm4b:s6+s9], $0x40, s30, s9, $0xb8;
	[tilespmem:$0x10800] =	vst v63  }
0x87: {  	_ = 	snop  }
0x88: {  	[tilespmem:s13], [sflag:$0x2] =	stream.indirect.gather [hbm4b:s6+s9], $0x40, s31, s9, $0xb8;
	[tilespmem:$0x10800] =	vst v63  }
0x89: {  	_ =	swait.ge [sflag:s10], $0x2000  }
0x8a: {  	[sflag:s10] =	ssyncset.done $0x0  }
0x8b: {  	[sflag:s10] =	ssyncadd.s32 $0xFFFFE000  }
0x8c: {  	_ =	swait.ge [sflag:s10], $0x2000  }
0x8d: {  	[sflag:s10] =	ssyncset.done $0x0  }
0x8e: {  	[sflag:s10] =	ssyncadd.s32 $0xFFFFE000  }
0x8f: {  	_ =	swait.ge [sflag:s10], $0x2000  }
0x90: {  	[sflag:s10] =	ssyncset.done $0x0  }
0x91: {  	[sflag:s10] =	ssyncadd.s32 $0xFFFFE000  }
0x92: {  	_ =	swait.ge [sflag:s10], $0x2000  }
0x93: {  	[sflag:s10] =	ssyncset.done $0x0  }
0x94: {  	s0 =	rddreg [dreg:$0x3];
	[sflag:s10] =	ssyncadd.s32 $0xFFFFE000  }
0x95: {  	[hbm4b:s0+s2] =	stream.linear.scatter [tilespmem:s7], [sflag:$0x3], $0x8000, $0x38;
	[tilespmem:$0x10800] =	vst v63  }
0x96: {  	_ =	swait.ge [sflag:s3], $0x8000  }
0x97: {  	[sflag:s3] =	ssyncset.done $0x0  }
0x98: {  	[sflag:s3] =	ssyncadd.s32 $0xFFFF8000  }
0x99: {  	[tilespmem:s7], [sflag:$0x1] =	stream.indirect.gather [hbm4b:s6+s9], $0x40, s21, s9, $0xb8;
	[tilespmem:$0x10800] =	vst v63  }
0x9a: {  	_ = 	snop  }
0x9b: {  	[tilespmem:s14], [sflag:$0x1] =	stream.indirect.gather [hbm4b:s6+s9], $0x40, s22, s9, $0xb8;
	[tilespmem:$0x10800] =	vst v63  }
0x9c: {  	_ = 	snop  }
0x9d: {  	[tilespmem:s15], [sflag:$0x1] =	stream.indirect.gather [hbm4b:s6+s9], $0x40, s23, s9, $0xb8;
	[tilespmem:$0x10800] =	vst v63  }
0x9e: {  	_ = 	snop  }
0x9f: {  	[tilespmem:s16], [sflag:$0x1] =	stream.indirect.gather [hbm4b:s6+s9], $0x40, s24, s9, $0xb8;
	[tilespmem:$0x10800] =	vst v63  }
0xa0: {  	_ =	swait.ge [sflag:s8], $0x2000  }
0xa1: {  	[sflag:s8] =	ssyncset.done $0x0  }
0xa2: {  	[sflag:s8] =	ssyncadd.s32 $0xFFFFE000  }
0xa3: {  	_ =	swait.ge [sflag:s8], $0x2000  }
0xa4: {  	[sflag:s8] =	ssyncset.done $0x0  }
0xa5: {  	[sflag:s8] =	ssyncadd.s32 $0xFFFFE000  }
0xa6: {  	_ =	swait.ge [sflag:s8], $0x2000  }
0xa7: {  	[sflag:s8] =	ssyncset.done $0x0  }
0xa8: {  	[sflag:s8] =	ssyncadd.s32 $0xFFFFE000  }
0xa9: {  	_ =	swait.ge [sflag:s8], $0x2000  }
0xaa: {  	[sflag:s8] =	ssyncset.done $0x0  }
0xab: {  	s0 =	rddreg [dreg:$0x4];
	[sflag:s8] =	ssyncadd.s32 $0xFFFFE000  }
0xac: {  	[hbm4b:s0+s2] =	stream.linear.scatter [tilespmem:s5], [sflag:$0x3], $0x8000, $0x38;
	[tilespmem:$0x10800] =	vst v63  }
0xad: {  	_ =	swait.ge [sflag:s3], $0x8000  }
0xae: {  	[sflag:s3] =	ssyncset.done $0x0  }
0xaf: {  	[sflag:s3] =	ssyncadd.s32 $0xFFFF8000  }
0xb0: {  	[tilespmem:s5], [sflag:$0x2] =	stream.indirect.gather [hbm4b:s6+s9], $0x40, s17, s9, $0xb8;
	[tilespmem:$0x10800] =	vst v63  }
0xb1: {  	_ = 	snop  }
0xb2: {  	[tilespmem:s11], [sflag:$0x2] =	stream.indirect.gather [hbm4b:s6+s9], $0x40, s18, s9, $0xb8;
	[tilespmem:$0x10800] =	vst v63  }
0xb3: {  	_ = 	snop  }
0xb4: {  	[tilespmem:s12], [sflag:$0x2] =	stream.indirect.gather [hbm4b:s6+s9], $0x40, s19, s9, $0xb8;
	[tilespmem:$0x10800] =	vst v63  }
0xb5: {  	_ = 	snop  }
0xb6: {  	[tilespmem:s13], [sflag:$0x2] =	stream.indirect.gather [hbm4b:s6+s9], $0x40, s20, s9, $0xb8;
	[tilespmem:$0x10800] =	vst v63  }
0xb7: {  	_ =	swait.ge [sflag:s10], $0x2000  }
0xb8: {  	[sflag:s10] =	ssyncset.done $0x0  }
0xb9: {  	[sflag:s10] =	ssyncadd.s32 $0xFFFFE000  }
0xba: {  	_ =	swait.ge [sflag:s10], $0x2000  }
0xbb: {  	[sflag:s10] =	ssyncset.done $0x0  }
0xbc: {  	[sflag:s10] =	ssyncadd.s32 $0xFFFFE000  }
0xbd: {  	_ =	swait.ge [sflag:s10], $0x2000  }
0xbe: {  	[sflag:s10] =	ssyncset.done $0x0  }
0xbf: {  	[sflag:s10] =	ssyncadd.s32 $0xFFFFE000  }
0xc0: {  	_ =	swait.ge [sflag:s10], $0x2000  }
0xc1: {  	[sflag:s10] =	ssyncset.done $0x0  }
0xc2: {  	s0 =	rddreg [dreg:$0x5];
	[sflag:s10] =	ssyncadd.s32 $0xFFFFE000  }
0xc3: {  	[hbm4b:s0+s2] =	stream.linear.scatter [tilespmem:s7], [sflag:$0x3], $0x8000, $0x38;
	[tilespmem:$0x10800] =	vst v63  }
0xc4: {  	_ =	swait.ge [sflag:s3], $0x8000  }
0xc5: {  	[sflag:s3] =	ssyncset.done $0x0  }
0xc6: {  	[sflag:s3] =	ssyncadd.s32 $0xFFFF8000  }
0xc7: {  	_ =	swait.ge [sflag:s8], $0x2000  }
0xc8: {  	[sflag:s8] =	ssyncset.done $0x0  }
0xc9: {  	[sflag:s8] =	ssyncadd.s32 $0xFFFFE000  }
0xca: {  	_ =	swait.ge [sflag:s8], $0x2000  }
0xcb: {  	[sflag:s8] =	ssyncset.done $0x0  }
0xcc: {  	[sflag:s8] =	ssyncadd.s32 $0xFFFFE000  }
0xcd: {  	_ =	swait.ge [sflag:s8], $0x2000  }
0xce: {  	[sflag:s8] =	ssyncset.done $0x0  }
0xcf: {  	[sflag:s8] =	ssyncadd.s32 $0xFFFFE000  }
0xd0: {  	p1 =	sne.s32 s1, $0x1;
	_ =	swait.ge [sflag:s8], $0x2000  }
.Ltmp2:
0xd1: {  	[sflag:s8] =	ssyncset.done $0x0;
	(pc) =	sbr.rel @p1 .LBB2_2-.Ltmp2, $4  }
0xd2: {  	[sflag:s8] =	ssyncadd.s32 $0xFFFFE000  }
0xd3: {  	[hbm4b:s4+s2] =	stream.linear.scatter [tilespmem:s5], [sflag:$0x3], $0x8000, $0x38;
	[tilespmem:$0x10800] =	vst v63  }
0xd4: {  	_ =	swait.ge [sflag:s3], $0x8000  }
0xd5: {  	s1 =	sadd.s32 $0xFFFFFFFF, s1;
	s0 =	rddreg [dreg:$0x2];
	[sflag:s3] =	ssyncset.done $0x0  }
.LBB2_3:
0xd6: {  	[sflag:s3] =	ssyncadd.s32 @p0 $0xFFFF8000  }
0xd7: {  	[tilespmem:s2], [sflag:$0x3] =	stream.linear.gather [hbm4b:s0+s2], $0x800, $0x38;
	[tilespmem:$0x10800] =	vst v63  }
0xd8: {  	_ =	swait.ge [sflag:s3], $0x800  }
0xd9: {  	[sflag:s3] =	ssyncset.done $0x0  }
0xda: {  	[sflag:s3] =	ssyncadd.s32 $0xFFFFF800  }
0xdb: {  	[tilespmem:s7], [sflag:$0x1] =	stream.indirect.gather [hbm4b:s6+s9], $0x40, s2, s9, $0xb8;
	[tilespmem:$0x10800] =	vst v63  }
0xdc: {  	_ = 	snop  }
0xdd: {  	[tilespmem:s14], [sflag:$0x1] =	stream.indirect.gather [hbm4b:s6+s9], $0x40, s9, s9, $0xb8;
	[tilespmem:$0x10800] =	vst v63  }
0xde: {  	_ = 	snop  }
0xdf: {  	[tilespmem:s15], [sflag:$0x1] =	stream.indirect.gather [hbm4b:s6+s9], $0x40, s25, s9, $0xb8;
	[tilespmem:$0x10800] =	vst v63  }
0xe0: {  	_ = 	snop  }
0xe1: {  	[tilespmem:s16], [sflag:$0x1] =	stream.indirect.gather [hbm4b:s6+s9], $0x40, s26, s9, $0xb8;
	[tilespmem:$0x10800] =	vst v63  }
0xe2: {  	_ = 	snop  }
0xe3: {  	[tilespmem:s5], [sflag:$0x2] =	stream.indirect.gather [hbm4b:s6+s9], $0x40, s28, s9, $0xb8;
	[tilespmem:$0x10800] =	vst v63  }
0xe4: {  	_ = 	snop  }
0xe5: {  	[tilespmem:s11], [sflag:$0x2] =	stream.indirect.gather [hbm4b:s6+s9], $0x40, s29, s9, $0xb8;
	[tilespmem:$0x10800] =	vst v63  }
0xe6: {  	_ = 	snop  }
0xe7: {  	[tilespmem:s12], [sflag:$0x2] =	stream.indirect.gather [hbm4b:s6+s9], $0x40, s30, s9, $0xb8;
	[tilespmem:$0x10800] =	vst v63  }
0xe8: {  	_ = 	snop  }
0xe9: {  	[tilespmem:s13], [sflag:$0x2] =	stream.indirect.gather [hbm4b:s6+s9], $0x40, s31, s9, $0xb8;
	[tilespmem:$0x10800] =	vst v63  }
0xea: {  	_ =	swait.ge [sflag:s10], $0x2000  }
0xeb: {  	[sflag:s10] =	ssyncset.done $0x0  }
0xec: {  	[sflag:s10] =	ssyncadd.s32 $0xFFFFE000  }
0xed: {  	_ =	swait.ge [sflag:s10], $0x2000  }
0xee: {  	[sflag:s10] =	ssyncset.done $0x0  }
0xef: {  	[sflag:s10] =	ssyncadd.s32 $0xFFFFE000  }
0xf0: {  	_ =	swait.ge [sflag:s10], $0x2000  }
0xf1: {  	[sflag:s10] =	ssyncset.done $0x0  }
0xf2: {  	[sflag:s10] =	ssyncadd.s32 $0xFFFFE000  }
0xf3: {  	_ =	swait.ge [sflag:s10], $0x2000  }
0xf4: {  	[sflag:s10] =	ssyncset.done $0x0  }
0xf5: {  	s28 =	rddreg [dreg:$0x3];
	[sflag:s10] =	ssyncadd.s32 $0xFFFFE000  }
0xf6: {  	[hbm4b:s28+s2] =	stream.linear.scatter [tilespmem:s7], [sflag:$0x3], $0x8000, $0x38;
	[tilespmem:$0x10800] =	vst v63  }
0xf7: {  	_ =	swait.ge [sflag:s3], $0x8000  }
0xf8: {  	[sflag:s3] =	ssyncset.done $0x0  }
0xf9: {  	[sflag:s3] =	ssyncadd.s32 $0xFFFF8000  }
0xfa: {  	[tilespmem:s7], [sflag:$0x1] =	stream.indirect.gather [hbm4b:s6+s9], $0x40, s21, s9, $0xb8;
	[tilespmem:$0x10800] =	vst v63  }
0xfb: {  	_ = 	snop  }
0xfc: {  	[tilespmem:s14], [sflag:$0x1] =	stream.indirect.gather [hbm4b:s6+s9], $0x40, s22, s9, $0xb8;
	[tilespmem:$0x10800] =	vst v63  }
0xfd: {  	_ = 	snop  }
0xfe: {  	[tilespmem:s15], [sflag:$0x1] =	stream.indirect.gather [hbm4b:s6+s9], $0x40, s23, s9, $0xb8;
	[tilespmem:$0x10800] =	vst v63  }
0xff: {  	_ = 	snop  }
0x100: {  	[tilespmem:s16], [sflag:$0x1] =	stream.indirect.gather [hbm4b:s6+s9], $0x40, s24, s9, $0xb8;
	[tilespmem:$0x10800] =	vst v63  }
0x101: {  	_ =	swait.ge [sflag:s8], $0x2000  }
0x102: {  	[sflag:s8] =	ssyncset.done $0x0  }
0x103: {  	[sflag:s8] =	ssyncadd.s32 $0xFFFFE000  }
0x104: {  	_ =	swait.ge [sflag:s8], $0x2000  }
0x105: {  	[sflag:s8] =	ssyncset.done $0x0  }
0x106: {  	[sflag:s8] =	ssyncadd.s32 $0xFFFFE000  }
0x107: {  	_ =	swait.ge [sflag:s8], $0x2000  }
0x108: {  	[sflag:s8] =	ssyncset.done $0x0  }
0x109: {  	[sflag:s8] =	ssyncadd.s32 $0xFFFFE000  }
0x10a: {  	_ =	swait.ge [sflag:s8], $0x2000  }
0x10b: {  	[sflag:s8] =	ssyncset.done $0x0  }
0x10c: {  	s29 =	rddreg [dreg:$0x4];
	[sflag:s8] =	ssyncadd.s32 $0xFFFFE000  }
0x10d: {  	[hbm4b:s29+s2] =	stream.linear.scatter [tilespmem:s5], [sflag:$0x3], $0x8000, $0x38;
	[tilespmem:$0x10800] =	vst v63  }
0x10e: {  	_ =	swait.ge [sflag:s3], $0x8000  }
0x10f: {  	[sflag:s3] =	ssyncset.done $0x0  }
0x110: {  	[sflag:s3] =	ssyncadd.s32 $0xFFFF8000  }
0x111: {  	[tilespmem:s5], [sflag:$0x2] =	stream.indirect.gather [hbm4b:s6+s9], $0x40, s17, s9, $0xb8;
	[tilespmem:$0x10800] =	vst v63  }
0x112: {  	_ = 	snop  }
0x113: {  	[tilespmem:s11], [sflag:$0x2] =	stream.indirect.gather [hbm4b:s6+s9], $0x40, s18, s9, $0xb8;
	[tilespmem:$0x10800] =	vst v63  }
0x114: {  	_ = 	snop  }
0x115: {  	[tilespmem:s12], [sflag:$0x2] =	stream.indirect.gather [hbm4b:s6+s9], $0x40, s19, s9, $0xb8;
	[tilespmem:$0x10800] =	vst v63  }
0x116: {  	_ = 	snop  }
0x117: {  	[tilespmem:s13], [sflag:$0x2] =	stream.indirect.gather [hbm4b:s6+s9], $0x40, s20, s9, $0xb8;
	[tilespmem:$0x10800] =	vst v63  }
0x118: {  	_ =	swait.ge [sflag:s10], $0x2000  }
0x119: {  	[sflag:s10] =	ssyncset.done $0x0  }
0x11a: {  	[sflag:s10] =	ssyncadd.s32 $0xFFFFE000  }
0x11b: {  	_ =	swait.ge [sflag:s10], $0x2000  }
0x11c: {  	[sflag:s10] =	ssyncset.done $0x0  }
0x11d: {  	[sflag:s10] =	ssyncadd.s32 $0xFFFFE000  }
0x11e: {  	_ =	swait.ge [sflag:s10], $0x2000  }
0x11f: {  	[sflag:s10] =	ssyncset.done $0x0  }
0x120: {  	[sflag:s10] =	ssyncadd.s32 $0xFFFFE000  }
0x121: {  	_ =	swait.ge [sflag:s10], $0x2000  }
0x122: {  	[sflag:s10] =	ssyncset.done $0x0  }
0x123: {  	s30 =	rddreg [dreg:$0x5];
	[sflag:s10] =	ssyncadd.s32 $0xFFFFE000  }
0x124: {  	[hbm4b:s30+s2] =	stream.linear.scatter [tilespmem:s7], [sflag:$0x3], $0x8000, $0x38;
	[tilespmem:$0x10800] =	vst v63  }
0x125: {  	_ =	swait.ge [sflag:s3], $0x8000  }
0x126: {  	[sflag:s3] =	ssyncset.done $0x0  }
0x127: {  	[sflag:s3] =	ssyncadd.s32 $0xFFFF8000  }
0x128: {  	_ =	swait.ge [sflag:s8], $0x2000  }
0x129: {  	[sflag:s8] =	ssyncset.done $0x0  }
0x12a: {  	[sflag:s8] =	ssyncadd.s32 $0xFFFFE000  }
0x12b: {  	_ =	swait.ge [sflag:s8], $0x2000  }
0x12c: {  	[sflag:s8] =	ssyncset.done $0x0  }
0x12d: {  	[sflag:s8] =	ssyncadd.s32 $0xFFFFE000  }
0x12e: {  	_ =	swait.ge [sflag:s8], $0x2000  }
0x12f: {  	[sflag:s8] =	ssyncset.done $0x0  }
0x130: {  	[sflag:s8] =	ssyncadd.s32 $0xFFFFE000  }
0x131: {  	_ =	swait.ge [sflag:s8], $0x2000  }
0x132: {  	[sflag:s8] =	ssyncset.done $0x0  }
0x133: {  	[sflag:s8] =	ssyncadd.s32 $0xFFFFE000  }
0x134: {  	[hbm4b:s4+s2] =	stream.linear.scatter [tilespmem:s5], [sflag:$0x3], $0x8000, $0x38;
	[tilespmem:$0x10800] =	vst v63  }
0x135: {  	_ =	swait.ge [sflag:s3], $0x8000  }
0x136: {  	[sflag:s3] =	ssyncset.done $0x0  }
0x137: {  	[sflag:s3] =	ssyncadd.s32 $0xFFFF8000  }
0x138: {  	_ =	sfence.sel $0x180000  }
0x139: {  	[bflag:$0x0] =	sbarrier.arrive $0xFFFF  }
0x13a: {  	_ =	strace $0x90000047  }
0x13b: {  	s31 =	stileid.u32;
	[bflag:$0x2] =	sbarrier.arrive $0xFFFF  }
0x13c: {  	p0 =	sne.s32 s31, $0x0;
	s0 =	rddreg [dreg:$0x1]  }
0x13d: {  	s0 =	sadd.s32 @!p0 $0x100000, s0  }
0x13e: {  	[sflag:s0] =	ssyncadd.tile.s32 @!p0 $0x1;
	_ =	shalt  }
.Lfunc_end2:
_tile_overlayer_lowered:
.L_overlay_start_2:
0x13f: {  	(tag) =	ssettag $0x2  }
0x140: {  	s0 =	rddreg [dreg:$0x0];
	s2 =	stileid.u32  }
0x141: {  	s1 =	rddreg [dreg:$0x1];
	p0 =	sne.s32 s2, $0x0  }
0x142: {  	s3 =	rddreg [dreg:$0x2];
	[bflag:$0x3] =	sbarrier.arrive $0xFFFF;
	s2 =	simm.s32 @!p0 $0x1C03  }
0x143: {  	[timem:s3], [sflag:s2] =	dma.local @!p0 [hbm:s0], s1  }
0x144: {  	s0 =	simm.s32 @!p0 $0x3  }
0x145: {  	_ =	swait.ge @!p0 [sflag:s0], s1  }
0x146: {  	s1 =	ssub.s32 @!p0 $0x0, s1;
	[sflag:s0] =	ssyncset.done @!p0 $0x0  }
0x147: {  	[sflag:s0] =	ssyncadd.s32 @!p0 s1  }
0x148: {  	[bflag:$0x3] =	sbarrier.arrive $0xFFFF  }
0x149: {  	_ =	shalt  }

</sc_bundles>
